<compile_context>
chip_gen: v7x
topology: tpu7x:2x2x1
jax: 0.10.2.dev20260603
libtpu: 0.0.44.dev20260713+nightly
codegen_flags: <defaults>
</compile_context>

<pallas_src>
import functools

import jax
import jax.numpy as jnp
from jax import lax
from jax.experimental import pallas as pl
from jax.experimental.pallas import tpu as pltpu
from jax.experimental.pallas import tpu_sc as plsc

N = 10000
R = 64
D = 128
H = 4
DH = D // H
NT = 2000


def _attn_body(t_ref, adj_ref, src_ref, wfc_ref, bfc_ref, ipw_ref, ipb_ref,
               ow_ref, ob_ref, out_ref, kbd_scr, vbd_scr, seg_scr):
    cdims = (((1,), (1,)), ((), ()))

    @pl.when(pl.program_id(0) == 0)
    def _prologue():
        s = jax.lax.dot_general(src_ref[...], wfc_ref[...], cdims)
        s = jnp.maximum(s + bfc_ref[...], 0.0)
        k = jax.lax.dot_general(s, ipw_ref[D:2 * D, :], cdims) + ipb_ref[1:2, :]
        v = jax.lax.dot_general(s, ipw_ref[2 * D:3 * D, :], cdims) + ipb_ref[2:3, :]
        kbd_scr[...] = jnp.zeros((H * R, D), jnp.float32)
        vbd_scr[...] = jnp.zeros((H * R, D), jnp.float32)
        for h in range(H):
            sl = slice(h * DH, (h + 1) * DH)
            kbd_scr[h * R:(h + 1) * R, sl] = k[:, sl]
            vbd_scr[h * R:(h + 1) * R, sl] = v[:, sl]
        row_h = jax.lax.broadcasted_iota(jnp.int32, (H * R, D), 0) // R
        col_h = jax.lax.broadcasted_iota(jnp.int32, (H * R, D), 1) // DH
        seg_scr[...] = (row_h == col_h).astype(jnp.float32)

    fast = jax.lax.Precision.DEFAULT
    q = jax.lax.dot_general(t_ref[...], ipw_ref[0:D, :], cdims) + ipb_ref[0:1, :]
    q = q * jnp.float32(DH ** -0.5)
    adjf = adj_ref[...].astype(jnp.float32)
    mask1 = (adjf - 1.0) * jnp.float32(1e30)
    mask = jnp.concatenate([mask1] * H, axis=1)

    s = jax.lax.dot_general(q, kbd_scr[...], cdims, precision=fast) + mask
    m = jnp.max(s, axis=1, keepdims=True)
    e = jnp.exp(s - m)
    denom = jax.lax.dot_general(e, seg_scr[...], (((1,), (0,)), ((), ())))
    ctx = jax.lax.dot_general(e, vbd_scr[...], (((1,), (0,)), ((), ())), precision=fast)
    ctx = ctx / denom
    acc = jax.lax.dot_general(ctx, ow_ref[...], cdims, precision=fast) + ob_ref[...]

    valid = m > jnp.float32(-1e29)
    out_ref[...] = jnp.where(valid, acc, jnp.float32(0.0))


def _attn_call(target, adjc, source, w_fc, b_fc2, ipw, ipb3, ow, ob2):
    grid = (N // NT,)
    full = lambda shape: pl.BlockSpec(shape, lambda i: (0, 0))
    return pl.pallas_call(
        _attn_body,
        grid=grid,
        in_specs=[
            pl.BlockSpec((NT, D), lambda i: (i, 0)),
            pl.BlockSpec((NT, R), lambda i: (i, 0)),
            full((R, D)),
            full((D, D)),
            full((1, D)),
            full((3 * D, D)),
            full((3, D)),
            full((D, D)),
            full((1, D)),
        ],
        out_specs=pl.BlockSpec((NT, D), lambda i: (i, 0)),
        out_shape=jax.ShapeDtypeStruct((N, D), jnp.float32),
        scratch_shapes=[
            pltpu.VMEM((H * R, D), jnp.float32),
            pltpu.VMEM((H * R, D), jnp.float32),
            pltpu.VMEM((H * R, D), jnp.float32),
        ],
        compiler_params=pltpu.CompilerParams(
            dimension_semantics=("arbitrary",),
        ),
    )(target, adjc, source, w_fc, b_fc2, ipw, ipb3, ow, ob2)


CH = 640


NW = 16


def _compact_body(adjc_hbm, out_hbm, adj_v, loc_v, cnt_v, tmp_v, cnts_v, out_v,
                  shared_loc, shared_cnt):
    cid = lax.axis_index("c")
    sid = lax.axis_index("s")
    base = jnp.minimum(sid * CH, N - CH)
    own = sid * CH
    zeros16 = jnp.zeros((16,), jnp.int32)
    iota16 = lax.iota(jnp.int32, 16)

    @pl.when(cid == 0)
    def _flags():
        pltpu.sync_copy(adjc_hbm.at[pl.ds(base, CH)], adj_v)

        @plsc.parallel_loop(0, CH // 16, unroll=2)
        def _z(g):
            loc_v[pl.ds(g * 16, 16)] = zeros16

        @plsc.parallel_loop(0, CH // 16, unroll=2, carry=jnp.zeros((16,), jnp.int32))
        def _grp(g, off):
            rows = g * 16 + iota16

            def col(c):
                return plsc.load_gather(adj_v, [rows, jnp.full((16,), c, jnp.int32)])

            accs = [col(k) for k in range(4)]
            for c in range(4, R):
                accs[c % 4] = accs[c % 4] | col(c)
            acc = (accs[0] | accs[1]) | (accs[2] | accs[3])
            rowid = base + g * 16 + iota16
            m = jnp.logical_and(acc > 0, rowid >= own)
            f = m.astype(jnp.int32)
            c = plsc.cumsum(f)
            plsc.store_scatter(loc_v, [off + c - 1], rowid, mask=m)
            return off + plsc.all_reduce_population_count(m)

        cnt_v[...] = _grp
        pltpu.sync_copy(loc_v, shared_loc.at[pl.ds(sid * CH, CH)])
        pltpu.sync_copy(cnt_v, shared_cnt.at[pl.ds(sid * 16, 16)])

    plsc.subcore_barrier()

    @pl.when(jnp.logical_and(cid == 0, sid == 0))
    def _():
        pltpu.sync_copy(shared_cnt, cnts_v)
        pltpu.sync_copy(shared_loc, tmp_v)

        @plsc.parallel_loop(0, N // 16, unroll=2)
        def _zero(i):
            out_v[pl.ds(i * 16, 16)] = zeros16

        p = jnp.zeros((16,), jnp.int32)
        for w in range(NW):
            cw = cnts_v[pl.ds(w * 16, 16)]

            @plsc.parallel_loop(0, CH // 16)
            def _merge(g):
                vals = tmp_v[pl.ds(w * CH + g * 16, 16)]
                pos = g * 16 + iota16
                plsc.store_scatter(out_v, [p + pos], vals, mask=pos < cw)

            p = p + cw
        pltpu.sync_copy(out_v, out_hbm)


def _compact_call(adjc):
    mesh = plsc.VectorSubcoreMesh(core_axis_name="c", subcore_axis_name="s")
    return pl.kernel(
        _compact_body,
        out_type=jax.ShapeDtypeStruct((N,), jnp.int32),
        mesh=mesh,
        scratch_types=[
            pltpu.VMEM((CH, R), jnp.int32),
            pltpu.VMEM((CH,), jnp.int32),
            pltpu.VMEM((16,), jnp.int32),
            pltpu.VMEM((NW * CH,), jnp.int32),
            pltpu.VMEM((NW * 16,), jnp.int32),
            pltpu.VMEM((N,), jnp.int32),
            pltpu.MemorySpace.VMEM_SHARED((NW * CH,), jnp.int32),
            pltpu.MemorySpace.VMEM_SHARED((NW * 16,), jnp.int32),
        ],
        compiler_params=pltpu.CompilerParams(needs_layout_passes=False),
    )(adjc)


def kernel(target, source, adjc_matrix, unit_id, W_fc, b_fc, in_proj_w,
           in_proj_b, out_w, out_b):
    del unit_id
    out = _attn_call(
        target, adjc_matrix, source, W_fc,
        b_fc.reshape(1, D), in_proj_w, in_proj_b.reshape(3, D),
        out_w, out_b.reshape(1, D),
    )
    valid_idx = _compact_call(adjc_matrix)
    return (out, valid_idx)

# --- scband reference (transcript-rebuilt; emitter-appended) ---
"""Pipeline reference for scband-grcnn-50525995270253 (READ-ONLY COPY).

The authoritative reference and input builder live on the scoring server;
editing this copy changes nothing except your own understanding.
"""

import jax, jax.numpy as jnp
import numpy as np

N = 10000
R = 64
D = 128
H = 4


def setup_inputs(seed: int = 0) -> dict:
    key = jax.random.key(seed)
    ks = jax.random.split(key, 8)
    target = jax.random.normal(ks[0], (N, D), dtype=jnp.float32)
    source = jax.random.normal(ks[1], (R, D), dtype=jnp.float32)
    adjc_matrix = jax.random.randint(ks[2], (N, R), 0, 2).astype(jnp.int32)
    W_fc = jax.random.normal(ks[3], (D, D), dtype=jnp.float32) * 0.05
    b_fc = jax.random.normal(ks[4], (D,), dtype=jnp.float32) * 0.01
    in_proj_w = jax.random.normal(ks[5], (3 * D, D), dtype=jnp.float32) * 0.05
    in_proj_b = jnp.zeros((3 * D,), dtype=jnp.float32)
    out_w = jax.random.normal(ks[6], (D, D), dtype=jnp.float32) * 0.05
    out_b = jnp.zeros((D,), dtype=jnp.float32)
    return {"target": target, "source": source, "adjc_matrix": adjc_matrix, "unit_id": 0,
            "W_fc": W_fc, "b_fc": b_fc, "in_proj_w": in_proj_w, "in_proj_b": in_proj_b,
            "out_w": out_w, "out_b": out_b}


def _mha(query, keys, pad_mask, ipw, ipb, ow, ob):
    # faithful torch nn.MultiheadAttention (query len 1 per node, batch = active nodes)
    n, m, d = keys.shape
    dh = d // H
    q = query @ ipw[:d].T + ipb[:d]
    k = keys @ ipw[d:2 * d].T + ipb[d:2 * d]
    v = keys @ ipw[2 * d:].T + ipb[2 * d:]
    q = q.reshape(n, H, dh) * (dh ** -0.5)
    k = k.reshape(n, m, H, dh)
    v = v.reshape(n, m, H, dh)
    scores = jnp.einsum('nhd,nmhd->nhm', q, k)
    scores = jnp.where(pad_mask[:, None, :], jnp.float32(-1e30), scores)
    attn = jax.nn.softmax(scores, axis=-1)
    ctx = jnp.einsum('nhm,nmhd->nhd', attn, v).reshape(n, d)
    return ctx @ ow.T + ob


def reference(target, source, adjc_matrix, unit_id, W_fc, b_fc, in_proj_w, in_proj_b, out_w, out_b):
    # prepare_message: trans_fc + relu on source (relation) features
    src = jax.nn.relu(source @ W_fc.T + b_fc)
    deg = adjc_matrix.sum(axis=1)
    max_deg = adjc_matrix.shape[1]
    # vectorized equivalent of per-row torch.nonzero + zero-padding:
    # stable argsort puts nonzero columns first in ascending index order (matches torch.nonzero)
    order = jnp.argsort(-adjc_matrix, axis=1)
    sel = order[:, :max_deg]
    keys = jnp.take(src, sel, axis=0)  # [N, max_deg, D] gathered neighbor messages
    pad_mask = jnp.arange(max_deg)[None, :] >= deg[:, None]  # True = padding (ignored)
    att_res = _mha(target, keys, pad_mask, in_proj_w, in_proj_b, out_w, out_b)
    valid = deg > 0
    out = jnp.where(valid[:, None], att_res, jnp.float32(0.0))  # att_res_padded scatter
    valid_idx = jnp.nonzero(valid, size=valid.shape[0])[0]
    return (out, valid_idx)

if __name__ == "__main__":
    import jax
    _d = setup_inputs()
    print(jax.jit(kernel)(*tuple(_d.values())))

</pallas_src>

<mosaic_0001>
#map = affine_map<(d0, d1) -> (0, 0)>
#map1 = affine_map<(d0, d1) -> (0)>
module attributes {stable_mosaic.version = 14 : i64} {
  func.func @_compact_body(%arg0: i32, %arg1: i32, %arg2: memref<10000x64xi32, #tpu.memory_space<hbm>>, %arg3: memref<10000xi32, #tpu.memory_space<hbm>>, %arg4: memref<640x64xi32, #tpu.memory_space<vmem>>, %arg5: memref<640xi32, #tpu.memory_space<vmem>>, %arg6: memref<16xi32, #tpu.memory_space<vmem>>, %arg7: memref<10240xi32, #tpu.memory_space<vmem>>, %arg8: memref<256xi32, #tpu.memory_space<vmem>>, %arg9: memref<10000xi32, #tpu.memory_space<vmem>>, %arg10: memref<10240xi32, #tpu.memory_space<vmem_shared>>, %arg11: memref<256xi32, #tpu.memory_space<vmem_shared>>) attributes {dimension_semantics = [#tpu.dimension_semantics<core_parallel>, #tpu.dimension_semantics<subcore_parallel>], iteration_bounds = array<i64: 2, 16>, scalar_prefetch = 0 : i64, scratch_operands = 8 : i64, tpu.core_type = #tpu.core_type<sc_vector_subcore>, window_params = [{transform_indices = #map}, {transform_indices = #map1}]} {
    %mul3A = arith.constant 640 : i32
    %mul3A_0 = arith.muli %arg1, %mul3A : i32
    %min3A = arith.constant 9360 : i32
    %min3A_1 = arith.minsi %mul3A_0, %min3A : i32
    %mul3A_2 = arith.constant 640 : i32
    %mul3A_3 = arith.muli %arg1, %mul3A_2 : i32
    %broadcast_in_dim3A = arith.constant 0 : i32
    %broadcast_in_dim3A_4 = vector.broadcast %broadcast_in_dim3A : i32 to vector<16xi32>
    %iota3A = tpu.iota {dimensions = array<i32: 0>} : vector<16xi32>
    %eq3A = arith.constant 0 : i32
    %eq3A_5 = arith.cmpi eq, %arg0, %eq3A : i32
    %convert_element_type3A = arith.extui %eq3A_5 : i1 to i32
    %cond3A = arith.constant 0 : i32
    %cond3A_6 = arith.cmpi ne, %convert_element_type3A, %cond3A : i32
    scf.if %cond3A_6 {
      "tpu.region"() ({
        %run_scoped3A = tpu.sem_alloc : memref<!tpu.dma_semaphore, #tpu.memory_space<semaphore_mem>>
        %dma_start3A = arith.constant 0 : i32
        %dma_start3A_27 = tpu.memref_slice %arg2[%min3A_1, %dma_start3A] : memref<10000x64xi32, #tpu.memory_space<hbm>> -> memref<640x64xi32, #tpu.memory_space<hbm>>
        %dma_start3A_28 = arith.constant 0 : i32
        %dma_start3A_29 = tpu.memref_slice %arg2[%min3A_1, %dma_start3A_28] : memref<10000x64xi32, #tpu.memory_space<hbm>> -> memref<640x64xi32, #tpu.memory_space<hbm>>
        tpu.enqueue_dma source(%dma_start3A_29 : memref<640x64xi32, #tpu.memory_space<hbm>>) target(%arg4 : memref<640x64xi32, #tpu.memory_space<vmem>>) target_semaphore(%run_scoped3A : memref<!tpu.dma_semaphore, #tpu.memory_space<semaphore_mem>>)
        %dma_wait3A = arith.constant 0 : i32
        %dma_wait3A_30 = tpu.memref_slice %arg2[%min3A_1, %dma_wait3A] : memref<10000x64xi32, #tpu.memory_space<hbm>> -> memref<640x64xi32, #tpu.memory_space<hbm>>
        %dma_wait3A_31 = arith.constant 0 : i32
        %dma_wait3A_32 = tpu.memref_slice %arg2[%min3A_1, %dma_wait3A_31] : memref<10000x64xi32, #tpu.memory_space<hbm>> -> memref<640x64xi32, #tpu.memory_space<hbm>>
        tpu.wait_dma2 semaphore(%run_scoped3A : memref<!tpu.dma_semaphore, #tpu.memory_space<semaphore_mem>>) src(%dma_wait3A_32 : memref<640x64xi32, #tpu.memory_space<hbm>>) dst(%arg4 : memref<640x64xi32, #tpu.memory_space<vmem>>)
        tpu.yield
      }) : () -> ()
      %parallel_loop3A = arith.constant 0 : i32
      %parallel_loop3A_14 = arith.constant 40 : i32
      %parallel_loop3A_15 = arith.constant 1 : i32
      scf.for %parallel_loop3A_27 = %parallel_loop3A to %parallel_loop3A_14 step %parallel_loop3A_15  : i32 {
        %parallel_loop3A_28 = arith.constant 16 : i32
        %parallel_loop3A_29 = arith.muli %parallel_loop3A_27, %parallel_loop3A_28 : i32
        %parallel_loop3A_30 = arith.index_cast %parallel_loop3A_29 : i32 to index
        %parallel_loop3A_31 = tpu.vector_load %arg5[%parallel_loop3A_30] {strides = array<i32>} : memref<640xi32, #tpu.memory_space<vmem>>, vector<16xi32>,
        tpu.vector_store %arg5[%parallel_loop3A_30], %broadcast_in_dim3A_4 {strides = array<i32>} : memref<640xi32, #tpu.memory_space<vmem>>, vector<16xi32>,
      } {sc.loop_unroll_factor = 2 : i64, sc.parallel_access}
      %broadcast_in_dim3A_16 = arith.constant 0 : i32
      %broadcast_in_dim3A_17 = vector.broadcast %broadcast_in_dim3A_16 : i32 to vector<16xi32>
      %parallel_loop3A_18 = arith.constant 0 : i32
      %parallel_loop3A_19 = arith.constant 40 : i32
      %parallel_loop3A_20 = arith.constant 1 : i32
      %parallel_loop3A_21 = scf.for %parallel_loop3A_27 = %parallel_loop3A_18 to %parallel_loop3A_19 step %parallel_loop3A_20 iter_args(%parallel_loop3A_28 = %broadcast_in_dim3A_17) -> (vector<16xi32>)  : i32 {
        %parallel_loop3A_29 = arith.constant 16 : i32
        %parallel_loop3A_30 = arith.muli %parallel_loop3A_27, %parallel_loop3A_29 : i32
        %parallel_loop3A_31 = vector.broadcast %parallel_loop3A_30 : i32 to vector<16xi32>
        %parallel_loop3A_32 = arith.addi %parallel_loop3A_31, %iota3A : vector<16xi32>
        %parallel_loop3A_33 = arith.constant 0 : i32
        %parallel_loop3A_34 = vector.broadcast %parallel_loop3A_33 : i32 to vector<16xi32>
        %parallel_loop3A_35 = tpu.vector_load_idx %arg4[%parallel_loop3A_32, %parallel_loop3A_34] : memref<640x64xi32, #tpu.memory_space<vmem>>[vector<16xi32>, vector<16xi32>], vector<16xi32>,
        %parallel_loop3A_36 = arith.constant 1 : i32
        %parallel_loop3A_37 = vector.broadcast %parallel_loop3A_36 : i32 to vector<16xi32>
        %parallel_loop3A_38 = tpu.vector_load_idx %arg4[%parallel_loop3A_32, %parallel_loop3A_37] : memref<640x64xi32, #tpu.memory_space<vmem>>[vector<16xi32>, vector<16xi32>], vector<16xi32>,
        %parallel_loop3A_39 = arith.constant 2 : i32
        %parallel_loop3A_40 = vector.broadcast %parallel_loop3A_39 : i32 to vector<16xi32>
        %parallel_loop3A_41 = tpu.vector_load_idx %arg4[%parallel_loop3A_32, %parallel_loop3A_40] : memref<640x64xi32, #tpu.memory_space<vmem>>[vector<16xi32>, vector<16xi32>], vector<16xi32>,
        %parallel_loop3A_42 = arith.constant 3 : i32
        %parallel_loop3A_43 = vector.broadcast %parallel_loop3A_42 : i32 to vector<16xi32>
        %parallel_loop3A_44 = tpu.vector_load_idx %arg4[%parallel_loop3A_32, %parallel_loop3A_43] : memref<640x64xi32, #tpu.memory_space<vmem>>[vector<16xi32>, vector<16xi32>], vector<16xi32>,
        %parallel_loop3A_45 = arith.constant 4 : i32
        %parallel_loop3A_46 = vector.broadcast %parallel_loop3A_45 : i32 to vector<16xi32>
        %parallel_loop3A_47 = tpu.vector_load_idx %arg4[%parallel_loop3A_32, %parallel_loop3A_46] : memref<640x64xi32, #tpu.memory_space<vmem>>[vector<16xi32>, vector<16xi32>], vector<16xi32>,
        %parallel_loop3A_48 = arith.ori %parallel_loop3A_35, %parallel_loop3A_47 : vector<16xi32>
        %parallel_loop3A_49 = arith.constant 5 : i32
        %parallel_loop3A_50 = vector.broadcast %parallel_loop3A_49 : i32 to vector<16xi32>
        %parallel_loop3A_51 = tpu.vector_load_idx %arg4[%parallel_loop3A_32, %parallel_loop3A_50] : memref<640x64xi32, #tpu.memory_space<vmem>>[vector<16xi32>, vector<16xi32>], vector<16xi32>,
        %parallel_loop3A_52 = arith.ori %parallel_loop3A_38, %parallel_loop3A_51 : vector<16xi32>
        %parallel_loop3A_53 = arith.constant 6 : i32
        %parallel_loop3A_54 = vector.broadcast %parallel_loop3A_53 : i32 to vector<16xi32>
        %parallel_loop3A_55 = tpu.vector_load_idx %arg4[%parallel_loop3A_32, %parallel_loop3A_54] : memref<640x64xi32, #tpu.memory_space<vmem>>[vector<16xi32>, vector<16xi32>], vector<16xi32>,
        %parallel_loop3A_56 = arith.ori %parallel_loop3A_41, %parallel_loop3A_55 : vector<16xi32>
        %parallel_loop3A_57 = arith.constant 7 : i32
        %parallel_loop3A_58 = vector.broadcast %parallel_loop3A_57 : i32 to vector<16xi32>
        %parallel_loop3A_59 = tpu.vector_load_idx %arg4[%parallel_loop3A_32, %parallel_loop3A_58] : memref<640x64xi32, #tpu.memory_space<vmem>>[vector<16xi32>, vector<16xi32>], vector<16xi32>,
        %parallel_loop3A_60 = arith.ori %parallel_loop3A_44, %parallel_loop3A_59 : vector<16xi32>
        %parallel_loop3A_61 = arith.constant 8 : i32
        %parallel_loop3A_62 = vector.broadcast %parallel_loop3A_61 : i32 to vector<16xi32>
        %parallel_loop3A_63 = tpu.vector_load_idx %arg4[%parallel_loop3A_32, %parallel_loop3A_62] : memref<640x64xi32, #tpu.memory_space<vmem>>[vector<16xi32>, vector<16xi32>], vector<16xi32>,
        %parallel_loop3A_64 = arith.ori %parallel_loop3A_48, %parallel_loop3A_63 : vector<16xi32>
        %parallel_loop3A_65 = arith.constant 9 : i32
        %parallel_loop3A_66 = vector.broadcast %parallel_loop3A_65 : i32 to vector<16xi32>
        %parallel_loop3A_67 = tpu.vector_load_idx %arg4[%parallel_loop3A_32, %parallel_loop3A_66] : memref<640x64xi32, #tpu.memory_space<vmem>>[vector<16xi32>, vector<16xi32>], vector<16xi32>,
        %parallel_loop3A_68 = arith.ori %parallel_loop3A_52, %parallel_loop3A_67 : vector<16xi32>
        %parallel_loop3A_69 = arith.constant 10 : i32
        %parallel_loop3A_70 = vector.broadcast %parallel_loop3A_69 : i32 to vector<16xi32>
        %parallel_loop3A_71 = tpu.vector_load_idx %arg4[%parallel_loop3A_32, %parallel_loop3A_70] : memref<640x64xi32, #tpu.memory_space<vmem>>[vector<16xi32>, vector<16xi32>], vector<16xi32>,
        %parallel_loop3A_72 = arith.ori %parallel_loop3A_56, %parallel_loop3A_71 : vector<16xi32>
        %parallel_loop3A_73 = arith.constant 11 : i32
        %parallel_loop3A_74 = vector.broadcast %parallel_loop3A_73 : i32 to vector<16xi32>
        %parallel_loop3A_75 = tpu.vector_load_idx %arg4[%parallel_loop3A_32, %parallel_loop3A_74] : memref<640x64xi32, #tpu.memory_space<vmem>>[vector<16xi32>, vector<16xi32>], vector<16xi32>,
        %parallel_loop3A_76 = arith.ori %parallel_loop3A_60, %parallel_loop3A_75 : vector<16xi32>
        %parallel_loop3A_77 = arith.constant 12 : i32
        %parallel_loop3A_78 = vector.broadcast %parallel_loop3A_77 : i32 to vector<16xi32>
        %parallel_loop3A_79 = tpu.vector_load_idx %arg4[%parallel_loop3A_32, %parallel_loop3A_78] : memref<640x64xi32, #tpu.memory_space<vmem>>[vector<16xi32>, vector<16xi32>], vector<16xi32>,
        %parallel_loop3A_80 = arith.ori %parallel_loop3A_64, %parallel_loop3A_79 : vector<16xi32>
        %parallel_loop3A_81 = arith.constant 13 : i32
        %parallel_loop3A_82 = vector.broadcast %parallel_loop3A_81 : i32 to vector<16xi32>
        %parallel_loop3A_83 = tpu.vector_load_idx %arg4[%parallel_loop3A_32, %parallel_loop3A_82] : memref<640x64xi32, #tpu.memory_space<vmem>>[vector<16xi32>, vector<16xi32>], vector<16xi32>,
        %parallel_loop3A_84 = arith.ori %parallel_loop3A_68, %parallel_loop3A_83 : vector<16xi32>
        %parallel_loop3A_85 = arith.constant 14 : i32
        %parallel_loop3A_86 = vector.broadcast %parallel_loop3A_85 : i32 to vector<16xi32>
        %parallel_loop3A_87 = tpu.vector_load_idx %arg4[%parallel_loop3A_32, %parallel_loop3A_86] : memref<640x64xi32, #tpu.memory_space<vmem>>[vector<16xi32>, vector<16xi32>], vector<16xi32>,
        %parallel_loop3A_88 = arith.ori %parallel_loop3A_72, %parallel_loop3A_87 : vector<16xi32>
        %parallel_loop3A_89 = arith.constant 15 : i32
        %parallel_loop3A_90 = vector.broadcast %parallel_loop3A_89 : i32 to vector<16xi32>
        %parallel_loop3A_91 = tpu.vector_load_idx %arg4[%parallel_loop3A_32, %parallel_loop3A_90] : memref<640x64xi32, #tpu.memory_space<vmem>>[vector<16xi32>, vector<16xi32>], vector<16xi32>,
        %parallel_loop3A_92 = arith.ori %parallel_loop3A_76, %parallel_loop3A_91 : vector<16xi32>
        %parallel_loop3A_93 = arith.constant 16 : i32
        %parallel_loop3A_94 = vector.broadcast %parallel_loop3A_93 : i32 to vector<16xi32>
        %parallel_loop3A_95 = tpu.vector_load_idx %arg4[%parallel_loop3A_32, %parallel_loop3A_94] : memref<640x64xi32, #tpu.memory_space<vmem>>[vector<16xi32>, vector<16xi32>], vector<16xi32>,
        %parallel_loop3A_96 = arith.ori %parallel_loop3A_80, %parallel_loop3A_95 : vector<16xi32>
        %parallel_loop3A_97 = arith.constant 17 : i32
        %parallel_loop3A_98 = vector.broadcast %parallel_loop3A_97 : i32 to vector<16xi32>
        %parallel_loop3A_99 = tpu.vector_load_idx %arg4[%parallel_loop3A_32, %parallel_loop3A_98] : memref<640x64xi32, #tpu.memory_space<vmem>>[vector<16xi32>, vector<16xi32>], vector<16xi32>,
        %parallel_loop3A_100 = arith.ori %parallel_loop3A_84, %parallel_loop3A_99 : vector<16xi32>
        %parallel_loop3A_101 = arith.constant 18 : i32
        %parallel_loop3A_102 = vector.broadcast %parallel_loop3A_101 : i32 to vector<16xi32>
        %parallel_loop3A_103 = tpu.vector_load_idx %arg4[%parallel_loop3A_32, %parallel_loop3A_102] : memref<640x64xi32, #tpu.memory_space<vmem>>[vector<16xi32>, vector<16xi32>], vector<16xi32>,
        %parallel_loop3A_104 = arith.ori %parallel_loop3A_88, %parallel_loop3A_103 : vector<16xi32>
        %parallel_loop3A_105 = arith.constant 19 : i32
        %parallel_loop3A_106 = vector.broadcast %parallel_loop3A_105 : i32 to vector<16xi32>
        %parallel_loop3A_107 = tpu.vector_load_idx %arg4[%parallel_loop3A_32, %parallel_loop3A_106] : memref<640x64xi32, #tpu.memory_space<vmem>>[vector<16xi32>, vector<16xi32>], vector<16xi32>,
        %parallel_loop3A_108 = arith.ori %parallel_loop3A_92, %parallel_loop3A_107 : vector<16xi32>
        %parallel_loop3A_109 = arith.constant 20 : i32
        %parallel_loop3A_110 = vector.broadcast %parallel_loop3A_109 : i32 to vector<16xi32>
        %parallel_loop3A_111 = tpu.vector_load_idx %arg4[%parallel_loop3A_32, %parallel_loop3A_110] : memref<640x64xi32, #tpu.memory_space<vmem>>[vector<16xi32>, vector<16xi32>], vector<16xi32>,
        %parallel_loop3A_112 = arith.ori %parallel_loop3A_96, %parallel_loop3A_111 : vector<16xi32>
        %parallel_loop3A_113 = arith.constant 21 : i32
        %parallel_loop3A_114 = vector.broadcast %parallel_loop3A_113 : i32 to vector<16xi32>
        %parallel_loop3A_115 = tpu.vector_load_idx %arg4[%parallel_loop3A_32, %parallel_loop3A_114] : memref<640x64xi32, #tpu.memory_space<vmem>>[vector<16xi32>, vector<16xi32>], vector<16xi32>,
        %parallel_loop3A_116 = arith.ori %parallel_loop3A_100, %parallel_loop3A_115 : vector<16xi32>
        %parallel_loop3A_117 = arith.constant 22 : i32
        %parallel_loop3A_118 = vector.broadcast %parallel_loop3A_117 : i32 to vector<16xi32>
        %parallel_loop3A_119 = tpu.vector_load_idx %arg4[%parallel_loop3A_32, %parallel_loop3A_118] : memref<640x64xi32, #tpu.memory_space<vmem>>[vector<16xi32>, vector<16xi32>], vector<16xi32>,
        %parallel_loop3A_120 = arith.ori %parallel_loop3A_104, %parallel_loop3A_119 : vector<16xi32>
        %parallel_loop3A_121 = arith.constant 23 : i32
        %parallel_loop3A_122 = vector.broadcast %parallel_loop3A_121 : i32 to vector<16xi32>
        %parallel_loop3A_123 = tpu.vector_load_idx %arg4[%parallel_loop3A_32, %parallel_loop3A_122] : memref<640x64xi32, #tpu.memory_space<vmem>>[vector<16xi32>, vector<16xi32>], vector<16xi32>,
        %parallel_loop3A_124 = arith.ori %parallel_loop3A_108, %parallel_loop3A_123 : vector<16xi32>
        %parallel_loop3A_125 = arith.constant 24 : i32
        %parallel_loop3A_126 = vector.broadcast %parallel_loop3A_125 : i32 to vector<16xi32>
        %parallel_loop3A_127 = tpu.vector_load_idx %arg4[%parallel_loop3A_32, %parallel_loop3A_126] : memref<640x64xi32, #tpu.memory_space<vmem>>[vector<16xi32>, vector<16xi32>], vector<16xi32>,
        %parallel_loop3A_128 = arith.ori %parallel_loop3A_112, %parallel_loop3A_127 : vector<16xi32>
        %parallel_loop3A_129 = arith.constant 25 : i32
        %parallel_loop3A_130 = vector.broadcast %parallel_loop3A_129 : i32 to vector<16xi32>
        %parallel_loop3A_131 = tpu.vector_load_idx %arg4[%parallel_loop3A_32, %parallel_loop3A_130] : memref<640x64xi32, #tpu.memory_space<vmem>>[vector<16xi32>, vector<16xi32>], vector<16xi32>,
        %parallel_loop3A_132 = arith.ori %parallel_loop3A_116, %parallel_loop3A_131 : vector<16xi32>
        %parallel_loop3A_133 = arith.constant 26 : i32
        %parallel_loop3A_134 = vector.broadcast %parallel_loop3A_133 : i32 to vector<16xi32>
        %parallel_loop3A_135 = tpu.vector_load_idx %arg4[%parallel_loop3A_32, %parallel_loop3A_134] : memref<640x64xi32, #tpu.memory_space<vmem>>[vector<16xi32>, vector<16xi32>], vector<16xi32>,
        %parallel_loop3A_136 = arith.ori %parallel_loop3A_120, %parallel_loop3A_135 : vector<16xi32>
        %parallel_loop3A_137 = arith.constant 27 : i32
        %parallel_loop3A_138 = vector.broadcast %parallel_loop3A_137 : i32 to vector<16xi32>
        %parallel_loop3A_139 = tpu.vector_load_idx %arg4[%parallel_loop3A_32, %parallel_loop3A_138] : memref<640x64xi32, #tpu.memory_space<vmem>>[vector<16xi32>, vector<16xi32>], vector<16xi32>,
        %parallel_loop3A_140 = arith.ori %parallel_loop3A_124, %parallel_loop3A_139 : vector<16xi32>
        %parallel_loop3A_141 = arith.constant 28 : i32
        %parallel_loop3A_142 = vector.broadcast %parallel_loop3A_141 : i32 to vector<16xi32>
        %parallel_loop3A_143 = tpu.vector_load_idx %arg4[%parallel_loop3A_32, %parallel_loop3A_142] : memref<640x64xi32, #tpu.memory_space<vmem>>[vector<16xi32>, vector<16xi32>], vector<16xi32>,
        %parallel_loop3A_144 = arith.ori %parallel_loop3A_128, %parallel_loop3A_143 : vector<16xi32>
        %parallel_loop3A_145 = arith.constant 29 : i32
        %parallel_loop3A_146 = vector.broadcast %parallel_loop3A_145 : i32 to vector<16xi32>
        %parallel_loop3A_147 = tpu.vector_load_idx %arg4[%parallel_loop3A_32, %parallel_loop3A_146] : memref<640x64xi32, #tpu.memory_space<vmem>>[vector<16xi32>, vector<16xi32>], vector<16xi32>,
        %parallel_loop3A_148 = arith.ori %parallel_loop3A_132, %parallel_loop3A_147 : vector<16xi32>
        %parallel_loop3A_149 = arith.constant 30 : i32
        %parallel_loop3A_150 = vector.broadcast %parallel_loop3A_149 : i32 to vector<16xi32>
        %parallel_loop3A_151 = tpu.vector_load_idx %arg4[%parallel_loop3A_32, %parallel_loop3A_150] : memref<640x64xi32, #tpu.memory_space<vmem>>[vector<16xi32>, vector<16xi32>], vector<16xi32>,
        %parallel_loop3A_152 = arith.ori %parallel_loop3A_136, %parallel_loop3A_151 : vector<16xi32>
        %parallel_loop3A_153 = arith.constant 31 : i32
        %parallel_loop3A_154 = vector.broadcast %parallel_loop3A_153 : i32 to vector<16xi32>
        %parallel_loop3A_155 = tpu.vector_load_idx %arg4[%parallel_loop3A_32, %parallel_loop3A_154] : memref<640x64xi32, #tpu.memory_space<vmem>>[vector<16xi32>, vector<16xi32>], vector<16xi32>,
        %parallel_loop3A_156 = arith.ori %parallel_loop3A_140, %parallel_loop3A_155 : vector<16xi32>
        %parallel_loop3A_157 = arith.constant 32 : i32
        %parallel_loop3A_158 = vector.broadcast %parallel_loop3A_157 : i32 to vector<16xi32>
        %parallel_loop3A_159 = tpu.vector_load_idx %arg4[%parallel_loop3A_32, %parallel_loop3A_158] : memref<640x64xi32, #tpu.memory_space<vmem>>[vector<16xi32>, vector<16xi32>], vector<16xi32>,
        %parallel_loop3A_160 = arith.ori %parallel_loop3A_144, %parallel_loop3A_159 : vector<16xi32>
        %parallel_loop3A_161 = arith.constant 33 : i32
        %parallel_loop3A_162 = vector.broadcast %parallel_loop3A_161 : i32 to vector<16xi32>
        %parallel_loop3A_163 = tpu.vector_load_idx %arg4[%parallel_loop3A_32, %parallel_loop3A_162] : memref<640x64xi32, #tpu.memory_space<vmem>>[vector<16xi32>, vector<16xi32>], vector<16xi32>,
        %parallel_loop3A_164 = arith.ori %parallel_loop3A_148, %parallel_loop3A_163 : vector<16xi32>
        %parallel_loop3A_165 = arith.constant 34 : i32
        %parallel_loop3A_166 = vector.broadcast %parallel_loop3A_165 : i32 to vector<16xi32>
        %parallel_loop3A_167 = tpu.vector_load_idx %arg4[%parallel_loop3A_32, %parallel_loop3A_166] : memref<640x64xi32, #tpu.memory_space<vmem>>[vector<16xi32>, vector<16xi32>], vector<16xi32>,
        %parallel_loop3A_168 = arith.ori %parallel_loop3A_152, %parallel_loop3A_167 : vector<16xi32>
        %parallel_loop3A_169 = arith.constant 35 : i32
        %parallel_loop3A_170 = vector.broadcast %parallel_loop3A_169 : i32 to vector<16xi32>
        %parallel_loop3A_171 = tpu.vector_load_idx %arg4[%parallel_loop3A_32, %parallel_loop3A_170] : memref<640x64xi32, #tpu.memory_space<vmem>>[vector<16xi32>, vector<16xi32>], vector<16xi32>,
        %parallel_loop3A_172 = arith.ori %parallel_loop3A_156, %parallel_loop3A_171 : vector<16xi32>
        %parallel_loop3A_173 = arith.constant 36 : i32
        %parallel_loop3A_174 = vector.broadcast %parallel_loop3A_173 : i32 to vector<16xi32>
        %parallel_loop3A_175 = tpu.vector_load_idx %arg4[%parallel_loop3A_32, %parallel_loop3A_174] : memref<640x64xi32, #tpu.memory_space<vmem>>[vector<16xi32>, vector<16xi32>], vector<16xi32>,
        %parallel_loop3A_176 = arith.ori %parallel_loop3A_160, %parallel_loop3A_175 : vector<16xi32>
        %parallel_loop3A_177 = arith.constant 37 : i32
        %parallel_loop3A_178 = vector.broadcast %parallel_loop3A_177 : i32 to vector<16xi32>
        %parallel_loop3A_179 = tpu.vector_load_idx %arg4[%parallel_loop3A_32, %parallel_loop3A_178] : memref<640x64xi32, #tpu.memory_space<vmem>>[vector<16xi32>, vector<16xi32>], vector<16xi32>,
        %parallel_loop3A_180 = arith.ori %parallel_loop3A_164, %parallel_loop3A_179 : vector<16xi32>
        %parallel_loop3A_181 = arith.constant 38 : i32
        %parallel_loop3A_182 = vector.broadcast %parallel_loop3A_181 : i32 to vector<16xi32>
        %parallel_loop3A_183 = tpu.vector_load_idx %arg4[%parallel_loop3A_32, %parallel_loop3A_182] : memref<640x64xi32, #tpu.memory_space<vmem>>[vector<16xi32>, vector<16xi32>], vector<16xi32>,
        %parallel_loop3A_184 = arith.ori %parallel_loop3A_168, %parallel_loop3A_183 : vector<16xi32>
        %parallel_loop3A_185 = arith.constant 39 : i32
        %parallel_loop3A_186 = vector.broadcast %parallel_loop3A_185 : i32 to vector<16xi32>
        %parallel_loop3A_187 = tpu.vector_load_idx %arg4[%parallel_loop3A_32, %parallel_loop3A_186] : memref<640x64xi32, #tpu.memory_space<vmem>>[vector<16xi32>, vector<16xi32>], vector<16xi32>,
        %parallel_loop3A_188 = arith.ori %parallel_loop3A_172, %parallel_loop3A_187 : vector<16xi32>
        %parallel_loop3A_189 = arith.constant 40 : i32
        %parallel_loop3A_190 = vector.broadcast %parallel_loop3A_189 : i32 to vector<16xi32>
        %parallel_loop3A_191 = tpu.vector_load_idx %arg4[%parallel_loop3A_32, %parallel_loop3A_190] : memref<640x64xi32, #tpu.memory_space<vmem>>[vector<16xi32>, vector<16xi32>], vector<16xi32>,
        %parallel_loop3A_192 = arith.ori %parallel_loop3A_176, %parallel_loop3A_191 : vector<16xi32>
        %parallel_loop3A_193 = arith.constant 41 : i32
        %parallel_loop3A_194 = vector.broadcast %parallel_loop3A_193 : i32 to vector<16xi32>
        %parallel_loop3A_195 = tpu.vector_load_idx %arg4[%parallel_loop3A_32, %parallel_loop3A_194] : memref<640x64xi32, #tpu.memory_space<vmem>>[vector<16xi32>, vector<16xi32>], vector<16xi32>,
        %parallel_loop3A_196 = arith.ori %parallel_loop3A_180, %parallel_loop3A_195 : vector<16xi32>
        %parallel_loop3A_197 = arith.constant 42 : i32
        %parallel_loop3A_198 = vector.broadcast %parallel_loop3A_197 : i32 to vector<16xi32>
        %parallel_loop3A_199 = tpu.vector_load_idx %arg4[%parallel_loop3A_32, %parallel_loop3A_198] : memref<640x64xi32, #tpu.memory_space<vmem>>[vector<16xi32>, vector<16xi32>], vector<16xi32>,
        %parallel_loop3A_200 = arith.ori %parallel_loop3A_184, %parallel_loop3A_199 : vector<16xi32>
        %parallel_loop3A_201 = arith.constant 43 : i32
        %parallel_loop3A_202 = vector.broadcast %parallel_loop3A_201 : i32 to vector<16xi32>
        %parallel_loop3A_203 = tpu.vector_load_idx %arg4[%parallel_loop3A_32, %parallel_loop3A_202] : memref<640x64xi32, #tpu.memory_space<vmem>>[vector<16xi32>, vector<16xi32>], vector<16xi32>,
        %parallel_loop3A_204 = arith.ori %parallel_loop3A_188, %parallel_loop3A_203 : vector<16xi32>
        %parallel_loop3A_205 = arith.constant 44 : i32
        %parallel_loop3A_206 = vector.broadcast %parallel_loop3A_205 : i32 to vector<16xi32>
        %parallel_loop3A_207 = tpu.vector_load_idx %arg4[%parallel_loop3A_32, %parallel_loop3A_206] : memref<640x64xi32, #tpu.memory_space<vmem>>[vector<16xi32>, vector<16xi32>], vector<16xi32>,
        %parallel_loop3A_208 = arith.ori %parallel_loop3A_192, %parallel_loop3A_207 : vector<16xi32>
        %parallel_loop3A_209 = arith.constant 45 : i32
        %parallel_loop3A_210 = vector.broadcast %parallel_loop3A_209 : i32 to vector<16xi32>
        %parallel_loop3A_211 = tpu.vector_load_idx %arg4[%parallel_loop3A_32, %parallel_loop3A_210] : memref<640x64xi32, #tpu.memory_space<vmem>>[vector<16xi32>, vector<16xi32>], vector<16xi32>,
        %parallel_loop3A_212 = arith.ori %parallel_loop3A_196, %parallel_loop3A_211 : vector<16xi32>
        %parallel_loop3A_213 = arith.constant 46 : i32
        %parallel_loop3A_214 = vector.broadcast %parallel_loop3A_213 : i32 to vector<16xi32>
        %parallel_loop3A_215 = tpu.vector_load_idx %arg4[%parallel_loop3A_32, %parallel_loop3A_214] : memref<640x64xi32, #tpu.memory_space<vmem>>[vector<16xi32>, vector<16xi32>], vector<16xi32>,
        %parallel_loop3A_216 = arith.ori %parallel_loop3A_200, %parallel_loop3A_215 : vector<16xi32>
        %parallel_loop3A_217 = arith.constant 47 : i32
        %parallel_loop3A_218 = vector.broadcast %parallel_loop3A_217 : i32 to vector<16xi32>
        %parallel_loop3A_219 = tpu.vector_load_idx %arg4[%parallel_loop3A_32, %parallel_loop3A_218] : memref<640x64xi32, #tpu.memory_space<vmem>>[vector<16xi32>, vector<16xi32>], vector<16xi32>,
        %parallel_loop3A_220 = arith.ori %parallel_loop3A_204, %parallel_loop3A_219 : vector<16xi32>
        %parallel_loop3A_221 = arith.constant 48 : i32
        %parallel_loop3A_222 = vector.broadcast %parallel_loop3A_221 : i32 to vector<16xi32>
        %parallel_loop3A_223 = tpu.vector_load_idx %arg4[%parallel_loop3A_32, %parallel_loop3A_222] : memref<640x64xi32, #tpu.memory_space<vmem>>[vector<16xi32>, vector<16xi32>], vector<16xi32>,
        %parallel_loop3A_224 = arith.ori %parallel_loop3A_208, %parallel_loop3A_223 : vector<16xi32>
        %parallel_loop3A_225 = arith.constant 49 : i32
        %parallel_loop3A_226 = vector.broadcast %parallel_loop3A_225 : i32 to vector<16xi32>
        %parallel_loop3A_227 = tpu.vector_load_idx %arg4[%parallel_loop3A_32, %parallel_loop3A_226] : memref<640x64xi32, #tpu.memory_space<vmem>>[vector<16xi32>, vector<16xi32>], vector<16xi32>,
        %parallel_loop3A_228 = arith.ori %parallel_loop3A_212, %parallel_loop3A_227 : vector<16xi32>
        %parallel_loop3A_229 = arith.constant 50 : i32
        %parallel_loop3A_230 = vector.broadcast %parallel_loop3A_229 : i32 to vector<16xi32>
        %parallel_loop3A_231 = tpu.vector_load_idx %arg4[%parallel_loop3A_32, %parallel_loop3A_230] : memref<640x64xi32, #tpu.memory_space<vmem>>[vector<16xi32>, vector<16xi32>], vector<16xi32>,
        %parallel_loop3A_232 = arith.ori %parallel_loop3A_216, %parallel_loop3A_231 : vector<16xi32>
        %parallel_loop3A_233 = arith.constant 51 : i32
        %parallel_loop3A_234 = vector.broadcast %parallel_loop3A_233 : i32 to vector<16xi32>
        %parallel_loop3A_235 = tpu.vector_load_idx %arg4[%parallel_loop3A_32, %parallel_loop3A_234] : memref<640x64xi32, #tpu.memory_space<vmem>>[vector<16xi32>, vector<16xi32>], vector<16xi32>,
        %parallel_loop3A_236 = arith.ori %parallel_loop3A_220, %parallel_loop3A_235 : vector<16xi32>
        %parallel_loop3A_237 = arith.constant 52 : i32
        %parallel_loop3A_238 = vector.broadcast %parallel_loop3A_237 : i32 to vector<16xi32>
        %parallel_loop3A_239 = tpu.vector_load_idx %arg4[%parallel_loop3A_32, %parallel_loop3A_238] : memref<640x64xi32, #tpu.memory_space<vmem>>[vector<16xi32>, vector<16xi32>], vector<16xi32>,
        %parallel_loop3A_240 = arith.ori %parallel_loop3A_224, %parallel_loop3A_239 : vector<16xi32>
        %parallel_loop3A_241 = arith.constant 53 : i32
        %parallel_loop3A_242 = vector.broadcast %parallel_loop3A_241 : i32 to vector<16xi32>
        %parallel_loop3A_243 = tpu.vector_load_idx %arg4[%parallel_loop3A_32, %parallel_loop3A_242] : memref<640x64xi32, #tpu.memory_space<vmem>>[vector<16xi32>, vector<16xi32>], vector<16xi32>,
        %parallel_loop3A_244 = arith.ori %parallel_loop3A_228, %parallel_loop3A_243 : vector<16xi32>
        %parallel_loop3A_245 = arith.constant 54 : i32
        %parallel_loop3A_246 = vector.broadcast %parallel_loop3A_245 : i32 to vector<16xi32>
        %parallel_loop3A_247 = tpu.vector_load_idx %arg4[%parallel_loop3A_32, %parallel_loop3A_246] : memref<640x64xi32, #tpu.memory_space<vmem>>[vector<16xi32>, vector<16xi32>], vector<16xi32>,
        %parallel_loop3A_248 = arith.ori %parallel_loop3A_232, %parallel_loop3A_247 : vector<16xi32>
        %parallel_loop3A_249 = arith.constant 55 : i32
        %parallel_loop3A_250 = vector.broadcast %parallel_loop3A_249 : i32 to vector<16xi32>
        %parallel_loop3A_251 = tpu.vector_load_idx %arg4[%parallel_loop3A_32, %parallel_loop3A_250] : memref<640x64xi32, #tpu.memory_space<vmem>>[vector<16xi32>, vector<16xi32>], vector<16xi32>,
        %parallel_loop3A_252 = arith.ori %parallel_loop3A_236, %parallel_loop3A_251 : vector<16xi32>
        %parallel_loop3A_253 = arith.constant 56 : i32
        %parallel_loop3A_254 = vector.broadcast %parallel_loop3A_253 : i32 to vector<16xi32>
        %parallel_loop3A_255 = tpu.vector_load_idx %arg4[%parallel_loop3A_32, %parallel_loop3A_254] : memref<640x64xi32, #tpu.memory_space<vmem>>[vector<16xi32>, vector<16xi32>], vector<16xi32>,
        %parallel_loop3A_256 = arith.ori %parallel_loop3A_240, %parallel_loop3A_255 : vector<16xi32>
        %parallel_loop3A_257 = arith.constant 57 : i32
        %parallel_loop3A_258 = vector.broadcast %parallel_loop3A_257 : i32 to vector<16xi32>
        %parallel_loop3A_259 = tpu.vector_load_idx %arg4[%parallel_loop3A_32, %parallel_loop3A_258] : memref<640x64xi32, #tpu.memory_space<vmem>>[vector<16xi32>, vector<16xi32>], vector<16xi32>,
        %parallel_loop3A_260 = arith.ori %parallel_loop3A_244, %parallel_loop3A_259 : vector<16xi32>
        %parallel_loop3A_261 = arith.constant 58 : i32
        %parallel_loop3A_262 = vector.broadcast %parallel_loop3A_261 : i32 to vector<16xi32>
        %parallel_loop3A_263 = tpu.vector_load_idx %arg4[%parallel_loop3A_32, %parallel_loop3A_262] : memref<640x64xi32, #tpu.memory_space<vmem>>[vector<16xi32>, vector<16xi32>], vector<16xi32>,
        %parallel_loop3A_264 = arith.ori %parallel_loop3A_248, %parallel_loop3A_263 : vector<16xi32>
        %parallel_loop3A_265 = arith.constant 59 : i32
        %parallel_loop3A_266 = vector.broadcast %parallel_loop3A_265 : i32 to vector<16xi32>
        %parallel_loop3A_267 = tpu.vector_load_idx %arg4[%parallel_loop3A_32, %parallel_loop3A_266] : memref<640x64xi32, #tpu.memory_space<vmem>>[vector<16xi32>, vector<16xi32>], vector<16xi32>,
        %parallel_loop3A_268 = arith.ori %parallel_loop3A_252, %parallel_loop3A_267 : vector<16xi32>
        %parallel_loop3A_269 = arith.constant 60 : i32
        %parallel_loop3A_270 = vector.broadcast %parallel_loop3A_269 : i32 to vector<16xi32>
        %parallel_loop3A_271 = tpu.vector_load_idx %arg4[%parallel_loop3A_32, %parallel_loop3A_270] : memref<640x64xi32, #tpu.memory_space<vmem>>[vector<16xi32>, vector<16xi32>], vector<16xi32>,
        %parallel_loop3A_272 = arith.ori %parallel_loop3A_256, %parallel_loop3A_271 : vector<16xi32>
        %parallel_loop3A_273 = arith.constant 61 : i32
        %parallel_loop3A_274 = vector.broadcast %parallel_loop3A_273 : i32 to vector<16xi32>
        %parallel_loop3A_275 = tpu.vector_load_idx %arg4[%parallel_loop3A_32, %parallel_loop3A_274] : memref<640x64xi32, #tpu.memory_space<vmem>>[vector<16xi32>, vector<16xi32>], vector<16xi32>,
        %parallel_loop3A_276 = arith.ori %parallel_loop3A_260, %parallel_loop3A_275 : vector<16xi32>
        %parallel_loop3A_277 = arith.constant 62 : i32
        %parallel_loop3A_278 = vector.broadcast %parallel_loop3A_277 : i32 to vector<16xi32>
        %parallel_loop3A_279 = tpu.vector_load_idx %arg4[%parallel_loop3A_32, %parallel_loop3A_278] : memref<640x64xi32, #tpu.memory_space<vmem>>[vector<16xi32>, vector<16xi32>], vector<16xi32>,
        %parallel_loop3A_280 = arith.ori %parallel_loop3A_264, %parallel_loop3A_279 : vector<16xi32>
        %parallel_loop3A_281 = arith.constant 63 : i32
        %parallel_loop3A_282 = vector.broadcast %parallel_loop3A_281 : i32 to vector<16xi32>
        %parallel_loop3A_283 = tpu.vector_load_idx %arg4[%parallel_loop3A_32, %parallel_loop3A_282] : memref<640x64xi32, #tpu.memory_space<vmem>>[vector<16xi32>, vector<16xi32>], vector<16xi32>,
        %parallel_loop3A_284 = arith.ori %parallel_loop3A_268, %parallel_loop3A_283 : vector<16xi32>
        %parallel_loop3A_285 = arith.ori %parallel_loop3A_272, %parallel_loop3A_276 : vector<16xi32>
        %parallel_loop3A_286 = arith.ori %parallel_loop3A_280, %parallel_loop3A_284 : vector<16xi32>
        %parallel_loop3A_287 = arith.ori %parallel_loop3A_285, %parallel_loop3A_286 : vector<16xi32>
        %parallel_loop3A_288 = arith.constant 16 : i32
        %parallel_loop3A_289 = arith.muli %parallel_loop3A_27, %parallel_loop3A_288 : i32
        %parallel_loop3A_290 = arith.addi %min3A_1, %parallel_loop3A_289 : i32
        %parallel_loop3A_291 = vector.broadcast %parallel_loop3A_290 : i32 to vector<16xi32>
        %parallel_loop3A_292 = arith.addi %parallel_loop3A_291, %iota3A : vector<16xi32>
        %parallel_loop3A_293 = arith.constant 0 : i32
        %parallel_loop3A_294 = vector.broadcast %parallel_loop3A_293 : i32 to vector<16xi32>
        %parallel_loop3A_295 = arith.cmpi sgt, %parallel_loop3A_287, %parallel_loop3A_294 : vector<16xi32>
        %parallel_loop3A_296 = vector.broadcast %mul3A_3 : i32 to vector<16xi32>
        %parallel_loop3A_297 = arith.cmpi sge, %parallel_loop3A_292, %parallel_loop3A_296 : vector<16xi32>
        %parallel_loop3A_298 = arith.andi %parallel_loop3A_295, %parallel_loop3A_297 : vector<16xi1>
        %parallel_loop3A_299 = arith.extui %parallel_loop3A_298 : vector<16xi1> to vector<16xi32>
        %parallel_loop3A_300 = arith.constant true
        %parallel_loop3A_301 = vector.broadcast %parallel_loop3A_300 : i1 to vector<16xi1>
        %parallel_loop3A_302 = tpu.scan <sum>, %parallel_loop3A_299 masked %parallel_loop3A_301 : vector<16xi32>, vector<16xi1> -> vector<16xi32>
        %parallel_loop3A_303 = arith.addi %parallel_loop3A_28, %parallel_loop3A_302 : vector<16xi32>
        %parallel_loop3A_304 = arith.constant 1 : i32
        %parallel_loop3A_305 = vector.broadcast %parallel_loop3A_304 : i32 to vector<16xi32>
        %parallel_loop3A_306 = arith.subi %parallel_loop3A_303, %parallel_loop3A_305 : vector<16xi32>
        tpu.vector_store_idx %arg5[%parallel_loop3A_306], %parallel_loop3A_292 masked %parallel_loop3A_298 : memref<640xi32, #tpu.memory_space<vmem>>[vector<16xi32>], vector<16xi32>, vector<16xi1>
        %parallel_loop3A_307 = tpu.all_reduce %parallel_loop3A_298 {dim = 0 : i64, kind = #tpu.reduction_kind<sum>} : vector<16xi1> -> vector<16xi32>
        %parallel_loop3A_308 = arith.addi %parallel_loop3A_28, %parallel_loop3A_307 : vector<16xi32>
        scf.yield %parallel_loop3A_308 : vector<16xi32>
      } {sc.loop_unroll_factor = 2 : i64, sc.parallel_access}
      %swap3A = arith.constant 0 : index
      %swap3A_22 = tpu.vector_load %arg6[%swap3A] {strides = array<i32>} : memref<16xi32, #tpu.memory_space<vmem>>, vector<16xi32>,
      tpu.vector_store %arg6[%swap3A], %parallel_loop3A_21 {strides = array<i32>} : memref<16xi32, #tpu.memory_space<vmem>>, vector<16xi32>,
      %mul3A_23 = arith.constant 640 : i32
      %mul3A_24 = arith.muli %arg1, %mul3A_23 : i32
      "tpu.region"() ({
        %run_scoped3A = tpu.sem_alloc : memref<!tpu.dma_semaphore, #tpu.memory_space<semaphore_mem>>
        %dma_start3A = tpu.memref_slice %arg10[%mul3A_24] : memref<10240xi32, #tpu.memory_space<vmem_shared>> -> memref<640xi32, #tpu.memory_space<vmem_shared>>
        %dma_start3A_27 = tpu.memref_slice %arg10[%mul3A_24] : memref<10240xi32, #tpu.memory_space<vmem_shared>> -> memref<640xi32, #tpu.memory_space<vmem_shared>>
        tpu.enqueue_dma source(%arg5 : memref<640xi32, #tpu.memory_space<vmem>>) target(%dma_start3A_27 : memref<640xi32, #tpu.memory_space<vmem_shared>>) target_semaphore(%run_scoped3A : memref<!tpu.dma_semaphore, #tpu.memory_space<semaphore_mem>>)
        %dma_wait3A = tpu.memref_slice %arg10[%mul3A_24] : memref<10240xi32, #tpu.memory_space<vmem_shared>> -> memref<640xi32, #tpu.memory_space<vmem_shared>>
        %dma_wait3A_28 = tpu.memref_slice %arg10[%mul3A_24] : memref<10240xi32, #tpu.memory_space<vmem_shared>> -> memref<640xi32, #tpu.memory_space<vmem_shared>>
        tpu.wait_dma2 semaphore(%run_scoped3A : memref<!tpu.dma_semaphore, #tpu.memory_space<semaphore_mem>>) src(%arg5 : memref<640xi32, #tpu.memory_space<vmem>>) dst(%dma_wait3A_28 : memref<640xi32, #tpu.memory_space<vmem_shared>>)
        tpu.yield
      }) : () -> ()
      %mul3A_25 = arith.constant 16 : i32
      %mul3A_26 = arith.muli %arg1, %mul3A_25 : i32
      "tpu.region"() ({
        %run_scoped3A = tpu.sem_alloc : memref<!tpu.dma_semaphore, #tpu.memory_space<semaphore_mem>>
        %dma_start3A = tpu.memref_slice %arg11[%mul3A_26] : memref<256xi32, #tpu.memory_space<vmem_shared>> -> memref<16xi32, #tpu.memory_space<vmem_shared>>
        %dma_start3A_27 = tpu.memref_slice %arg11[%mul3A_26] : memref<256xi32, #tpu.memory_space<vmem_shared>> -> memref<16xi32, #tpu.memory_space<vmem_shared>>
        tpu.enqueue_dma source(%arg6 : memref<16xi32, #tpu.memory_space<vmem>>) target(%dma_start3A_27 : memref<16xi32, #tpu.memory_space<vmem_shared>>) target_semaphore(%run_scoped3A : memref<!tpu.dma_semaphore, #tpu.memory_space<semaphore_mem>>)
        %dma_wait3A = tpu.memref_slice %arg11[%mul3A_26] : memref<256xi32, #tpu.memory_space<vmem_shared>> -> memref<16xi32, #tpu.memory_space<vmem_shared>>
        %dma_wait3A_28 = tpu.memref_slice %arg11[%mul3A_26] : memref<256xi32, #tpu.memory_space<vmem_shared>> -> memref<16xi32, #tpu.memory_space<vmem_shared>>
        tpu.wait_dma2 semaphore(%run_scoped3A : memref<!tpu.dma_semaphore, #tpu.memory_space<semaphore_mem>>) src(%arg6 : memref<16xi32, #tpu.memory_space<vmem>>) dst(%dma_wait3A_28 : memref<16xi32, #tpu.memory_space<vmem_shared>>)
        tpu.yield
      }) : () -> ()
    } else {
    }
    %barrier3A = arith.constant 0 : index
    tpu.barrier barrier_id(%barrier3A)
    %eq3A_7 = arith.constant 0 : i32
    %eq3A_8 = arith.cmpi eq, %arg0, %eq3A_7 : i32
    %eq3A_9 = arith.constant 0 : i32
    %eq3A_10 = arith.cmpi eq, %arg1, %eq3A_9 : i32
    %and3A = arith.andi %eq3A_8, %eq3A_10 : i1
    %convert_element_type3A_11 = arith.extui %and3A : i1 to i32
    %cond3A_12 = arith.constant 0 : i32
    %cond3A_13 = arith.cmpi ne, %convert_element_type3A_11, %cond3A_12 : i32
    scf.if %cond3A_13 {
      "tpu.region"() ({
        %run_scoped3A = tpu.sem_alloc : memref<!tpu.dma_semaphore, #tpu.memory_space<semaphore_mem>>
        tpu.enqueue_dma source(%arg11 : memref<256xi32, #tpu.memory_space<vmem_shared>>) target(%arg8 : memref<256xi32, #tpu.memory_space<vmem>>) target_semaphore(%run_scoped3A : memref<!tpu.dma_semaphore, #tpu.memory_space<semaphore_mem>>)
        tpu.wait_dma2 semaphore(%run_scoped3A : memref<!tpu.dma_semaphore, #tpu.memory_space<semaphore_mem>>) src(%arg11 : memref<256xi32, #tpu.memory_space<vmem_shared>>) dst(%arg8 : memref<256xi32, #tpu.memory_space<vmem>>)
        tpu.yield
      }) : () -> ()
      "tpu.region"() ({
        %run_scoped3A = tpu.sem_alloc : memref<!tpu.dma_semaphore, #tpu.memory_space<semaphore_mem>>
        tpu.enqueue_dma source(%arg10 : memref<10240xi32, #tpu.memory_space<vmem_shared>>) target(%arg7 : memref<10240xi32, #tpu.memory_space<vmem>>) target_semaphore(%run_scoped3A : memref<!tpu.dma_semaphore, #tpu.memory_space<semaphore_mem>>)
        tpu.wait_dma2 semaphore(%run_scoped3A : memref<!tpu.dma_semaphore, #tpu.memory_space<semaphore_mem>>) src(%arg10 : memref<10240xi32, #tpu.memory_space<vmem_shared>>) dst(%arg7 : memref<10240xi32, #tpu.memory_space<vmem>>)
        tpu.yield
      }) : () -> ()
      %parallel_loop3A = arith.constant 0 : i32
      %parallel_loop3A_14 = arith.constant 625 : i32
      %parallel_loop3A_15 = arith.constant 1 : i32
      scf.for %parallel_loop3A_112 = %parallel_loop3A to %parallel_loop3A_14 step %parallel_loop3A_15  : i32 {
        %parallel_loop3A_113 = arith.constant 16 : i32
        %parallel_loop3A_114 = arith.muli %parallel_loop3A_112, %parallel_loop3A_113 : i32
        %parallel_loop3A_115 = arith.index_cast %parallel_loop3A_114 : i32 to index
        %parallel_loop3A_116 = tpu.vector_load %arg9[%parallel_loop3A_115] {strides = array<i32>} : memref<10000xi32, #tpu.memory_space<vmem>>, vector<16xi32>,
        tpu.vector_store %arg9[%parallel_loop3A_115], %broadcast_in_dim3A_4 {strides = array<i32>} : memref<10000xi32, #tpu.memory_space<vmem>>, vector<16xi32>,
      } {sc.loop_unroll_factor = 2 : i64, sc.parallel_access}
      %broadcast_in_dim3A_16 = arith.constant 0 : i32
      %broadcast_in_dim3A_17 = vector.broadcast %broadcast_in_dim3A_16 : i32 to vector<16xi32>
      %get3A = arith.constant 0 : index
      %get3A_18 = tpu.vector_load %arg8[%get3A] {strides = array<i32>} : memref<256xi32, #tpu.memory_space<vmem>>, vector<16xi32>,
      %parallel_loop3A_19 = arith.constant 0 : i32
      %parallel_loop3A_20 = arith.constant 40 : i32
      %parallel_loop3A_21 = arith.constant 1 : i32
      scf.for %parallel_loop3A_112 = %parallel_loop3A_19 to %parallel_loop3A_20 step %parallel_loop3A_21  : i32 {
        %parallel_loop3A_113 = arith.constant 16 : i32
        %parallel_loop3A_114 = arith.muli %parallel_loop3A_112, %parallel_loop3A_113 : i32
        %parallel_loop3A_115 = arith.constant 0 : i32
        %parallel_loop3A_116 = arith.addi %parallel_loop3A_115, %parallel_loop3A_114 : i32
        %parallel_loop3A_117 = arith.index_cast %parallel_loop3A_116 : i32 to index
        %parallel_loop3A_118 = tpu.vector_load %arg7[%parallel_loop3A_117] {strides = array<i32>} : memref<10240xi32, #tpu.memory_space<vmem>>, vector<16xi32>,
        %parallel_loop3A_119 = arith.constant 16 : i32
        %parallel_loop3A_120 = arith.muli %parallel_loop3A_112, %parallel_loop3A_119 : i32
        %parallel_loop3A_121 = vector.broadcast %parallel_loop3A_120 : i32 to vector<16xi32>
        %parallel_loop3A_122 = arith.addi %parallel_loop3A_121, %iota3A : vector<16xi32>
        %parallel_loop3A_123 = arith.addi %broadcast_in_dim3A_17, %parallel_loop3A_122 : vector<16xi32>
        %parallel_loop3A_124 = arith.cmpi slt, %parallel_loop3A_122, %get3A_18 : vector<16xi32>
        tpu.vector_store_idx %arg9[%parallel_loop3A_123], %parallel_loop3A_118 masked %parallel_loop3A_124 : memref<10000xi32, #tpu.memory_space<vmem>>[vector<16xi32>], vector<16xi32>, vector<16xi1>
      } {sc.loop_unroll_factor = 1 : i64, sc.parallel_access}
      %add3A = arith.addi %broadcast_in_dim3A_17, %get3A_18 : vector<16xi32>
      %get3A_22 = arith.constant 16 : index
      %get3A_23 = tpu.vector_load %arg8[%get3A_22] {strides = array<i32>} : memref<256xi32, #tpu.memory_space<vmem>>, vector<16xi32>,
      %parallel_loop3A_24 = arith.constant 0 : i32
      %parallel_loop3A_25 = arith.constant 40 : i32
      %parallel_loop3A_26 = arith.constant 1 : i32
      scf.for %parallel_loop3A_112 = %parallel_loop3A_24 to %parallel_loop3A_25 step %parallel_loop3A_26  : i32 {
        %parallel_loop3A_113 = arith.constant 16 : i32
        %parallel_loop3A_114 = arith.muli %parallel_loop3A_112, %parallel_loop3A_113 : i32
        %parallel_loop3A_115 = arith.constant 640 : i32
        %parallel_loop3A_116 = arith.addi %parallel_loop3A_115, %parallel_loop3A_114 : i32
        %parallel_loop3A_117 = arith.index_cast %parallel_loop3A_116 : i32 to index
        %parallel_loop3A_118 = tpu.vector_load %arg7[%parallel_loop3A_117] {strides = array<i32>} : memref<10240xi32, #tpu.memory_space<vmem>>, vector<16xi32>,
        %parallel_loop3A_119 = arith.constant 16 : i32
        %parallel_loop3A_120 = arith.muli %parallel_loop3A_112, %parallel_loop3A_119 : i32
        %parallel_loop3A_121 = vector.broadcast %parallel_loop3A_120 : i32 to vector<16xi32>
        %parallel_loop3A_122 = arith.addi %parallel_loop3A_121, %iota3A : vector<16xi32>
        %parallel_loop3A_123 = arith.addi %add3A, %parallel_loop3A_122 : vector<16xi32>
        %parallel_loop3A_124 = arith.cmpi slt, %parallel_loop3A_122, %get3A_23 : vector<16xi32>
        tpu.vector_store_idx %arg9[%parallel_loop3A_123], %parallel_loop3A_118 masked %parallel_loop3A_124 : memref<10000xi32, #tpu.memory_space<vmem>>[vector<16xi32>], vector<16xi32>, vector<16xi1>
      } {sc.loop_unroll_factor = 1 : i64, sc.parallel_access}
      %add3A_27 = arith.addi %add3A, %get3A_23 : vector<16xi32>
      %get3A_28 = arith.constant 32 : index
      %get3A_29 = tpu.vector_load %arg8[%get3A_28] {strides = array<i32>} : memref<256xi32, #tpu.memory_space<vmem>>, vector<16xi32>,
      %parallel_loop3A_30 = arith.constant 0 : i32
      %parallel_loop3A_31 = arith.constant 40 : i32
      %parallel_loop3A_32 = arith.constant 1 : i32
      scf.for %parallel_loop3A_112 = %parallel_loop3A_30 to %parallel_loop3A_31 step %parallel_loop3A_32  : i32 {
        %parallel_loop3A_113 = arith.constant 16 : i32
        %parallel_loop3A_114 = arith.muli %parallel_loop3A_112, %parallel_loop3A_113 : i32
        %parallel_loop3A_115 = arith.constant 1280 : i32
        %parallel_loop3A_116 = arith.addi %parallel_loop3A_115, %parallel_loop3A_114 : i32
        %parallel_loop3A_117 = arith.index_cast %parallel_loop3A_116 : i32 to index
        %parallel_loop3A_118 = tpu.vector_load %arg7[%parallel_loop3A_117] {strides = array<i32>} : memref<10240xi32, #tpu.memory_space<vmem>>, vector<16xi32>,
        %parallel_loop3A_119 = arith.constant 16 : i32
        %parallel_loop3A_120 = arith.muli %parallel_loop3A_112, %parallel_loop3A_119 : i32
        %parallel_loop3A_121 = vector.broadcast %parallel_loop3A_120 : i32 to vector<16xi32>
        %parallel_loop3A_122 = arith.addi %parallel_loop3A_121, %iota3A : vector<16xi32>
        %parallel_loop3A_123 = arith.addi %add3A_27, %parallel_loop3A_122 : vector<16xi32>
        %parallel_loop3A_124 = arith.cmpi slt, %parallel_loop3A_122, %get3A_29 : vector<16xi32>
        tpu.vector_store_idx %arg9[%parallel_loop3A_123], %parallel_loop3A_118 masked %parallel_loop3A_124 : memref<10000xi32, #tpu.memory_space<vmem>>[vector<16xi32>], vector<16xi32>, vector<16xi1>
      } {sc.loop_unroll_factor = 1 : i64, sc.parallel_access}
      %add3A_33 = arith.addi %add3A_27, %get3A_29 : vector<16xi32>
      %get3A_34 = arith.constant 48 : index
      %get3A_35 = tpu.vector_load %arg8[%get3A_34] {strides = array<i32>} : memref<256xi32, #tpu.memory_space<vmem>>, vector<16xi32>,
      %parallel_loop3A_36 = arith.constant 0 : i32
      %parallel_loop3A_37 = arith.constant 40 : i32
      %parallel_loop3A_38 = arith.constant 1 : i32
      scf.for %parallel_loop3A_112 = %parallel_loop3A_36 to %parallel_loop3A_37 step %parallel_loop3A_38  : i32 {
        %parallel_loop3A_113 = arith.constant 16 : i32
        %parallel_loop3A_114 = arith.muli %parallel_loop3A_112, %parallel_loop3A_113 : i32
        %parallel_loop3A_115 = arith.constant 1920 : i32
        %parallel_loop3A_116 = arith.addi %parallel_loop3A_115, %parallel_loop3A_114 : i32
        %parallel_loop3A_117 = arith.index_cast %parallel_loop3A_116 : i32 to index
        %parallel_loop3A_118 = tpu.vector_load %arg7[%parallel_loop3A_117] {strides = array<i32>} : memref<10240xi32, #tpu.memory_space<vmem>>, vector<16xi32>,
        %parallel_loop3A_119 = arith.constant 16 : i32
        %parallel_loop3A_120 = arith.muli %parallel_loop3A_112, %parallel_loop3A_119 : i32
        %parallel_loop3A_121 = vector.broadcast %parallel_loop3A_120 : i32 to vector<16xi32>
        %parallel_loop3A_122 = arith.addi %parallel_loop3A_121, %iota3A : vector<16xi32>
        %parallel_loop3A_123 = arith.addi %add3A_33, %parallel_loop3A_122 : vector<16xi32>
        %parallel_loop3A_124 = arith.cmpi slt, %parallel_loop3A_122, %get3A_35 : vector<16xi32>
        tpu.vector_store_idx %arg9[%parallel_loop3A_123], %parallel_loop3A_118 masked %parallel_loop3A_124 : memref<10000xi32, #tpu.memory_space<vmem>>[vector<16xi32>], vector<16xi32>, vector<16xi1>
      } {sc.loop_unroll_factor = 1 : i64, sc.parallel_access}
      %add3A_39 = arith.addi %add3A_33, %get3A_35 : vector<16xi32>
      %get3A_40 = arith.constant 64 : index
      %get3A_41 = tpu.vector_load %arg8[%get3A_40] {strides = array<i32>} : memref<256xi32, #tpu.memory_space<vmem>>, vector<16xi32>,
      %parallel_loop3A_42 = arith.constant 0 : i32
      %parallel_loop3A_43 = arith.constant 40 : i32
      %parallel_loop3A_44 = arith.constant 1 : i32
      scf.for %parallel_loop3A_112 = %parallel_loop3A_42 to %parallel_loop3A_43 step %parallel_loop3A_44  : i32 {
        %parallel_loop3A_113 = arith.constant 16 : i32
        %parallel_loop3A_114 = arith.muli %parallel_loop3A_112, %parallel_loop3A_113 : i32
        %parallel_loop3A_115 = arith.constant 2560 : i32
        %parallel_loop3A_116 = arith.addi %parallel_loop3A_115, %parallel_loop3A_114 : i32
        %parallel_loop3A_117 = arith.index_cast %parallel_loop3A_116 : i32 to index
        %parallel_loop3A_118 = tpu.vector_load %arg7[%parallel_loop3A_117] {strides = array<i32>} : memref<10240xi32, #tpu.memory_space<vmem>>, vector<16xi32>,
        %parallel_loop3A_119 = arith.constant 16 : i32
        %parallel_loop3A_120 = arith.muli %parallel_loop3A_112, %parallel_loop3A_119 : i32
        %parallel_loop3A_121 = vector.broadcast %parallel_loop3A_120 : i32 to vector<16xi32>
        %parallel_loop3A_122 = arith.addi %parallel_loop3A_121, %iota3A : vector<16xi32>
        %parallel_loop3A_123 = arith.addi %add3A_39, %parallel_loop3A_122 : vector<16xi32>
        %parallel_loop3A_124 = arith.cmpi slt, %parallel_loop3A_122, %get3A_41 : vector<16xi32>
        tpu.vector_store_idx %arg9[%parallel_loop3A_123], %parallel_loop3A_118 masked %parallel_loop3A_124 : memref<10000xi32, #tpu.memory_space<vmem>>[vector<16xi32>], vector<16xi32>, vector<16xi1>
      } {sc.loop_unroll_factor = 1 : i64, sc.parallel_access}
      %add3A_45 = arith.addi %add3A_39, %get3A_41 : vector<16xi32>
      %get3A_46 = arith.constant 80 : index
      %get3A_47 = tpu.vector_load %arg8[%get3A_46] {strides = array<i32>} : memref<256xi32, #tpu.memory_space<vmem>>, vector<16xi32>,
      %parallel_loop3A_48 = arith.constant 0 : i32
      %parallel_loop3A_49 = arith.constant 40 : i32
      %parallel_loop3A_50 = arith.constant 1 : i32
      scf.for %parallel_loop3A_112 = %parallel_loop3A_48 to %parallel_loop3A_49 step %parallel_loop3A_50  : i32 {
        %parallel_loop3A_113 = arith.constant 16 : i32
        %parallel_loop3A_114 = arith.muli %parallel_loop3A_112, %parallel_loop3A_113 : i32
        %parallel_loop3A_115 = arith.constant 3200 : i32
        %parallel_loop3A_116 = arith.addi %parallel_loop3A_115, %parallel_loop3A_114 : i32
        %parallel_loop3A_117 = arith.index_cast %parallel_loop3A_116 : i32 to index
        %parallel_loop3A_118 = tpu.vector_load %arg7[%parallel_loop3A_117] {strides = array<i32>} : memref<10240xi32, #tpu.memory_space<vmem>>, vector<16xi32>,
        %parallel_loop3A_119 = arith.constant 16 : i32
        %parallel_loop3A_120 = arith.muli %parallel_loop3A_112, %parallel_loop3A_119 : i32
        %parallel_loop3A_121 = vector.broadcast %parallel_loop3A_120 : i32 to vector<16xi32>
        %parallel_loop3A_122 = arith.addi %parallel_loop3A_121, %iota3A : vector<16xi32>
        %parallel_loop3A_123 = arith.addi %add3A_45, %parallel_loop3A_122 : vector<16xi32>
        %parallel_loop3A_124 = arith.cmpi slt, %parallel_loop3A_122, %get3A_47 : vector<16xi32>
        tpu.vector_store_idx %arg9[%parallel_loop3A_123], %parallel_loop3A_118 masked %parallel_loop3A_124 : memref<10000xi32, #tpu.memory_space<vmem>>[vector<16xi32>], vector<16xi32>, vector<16xi1>
      } {sc.loop_unroll_factor = 1 : i64, sc.parallel_access}
      %add3A_51 = arith.addi %add3A_45, %get3A_47 : vector<16xi32>
      %get3A_52 = arith.constant 96 : index
      %get3A_53 = tpu.vector_load %arg8[%get3A_52] {strides = array<i32>} : memref<256xi32, #tpu.memory_space<vmem>>, vector<16xi32>,
      %parallel_loop3A_54 = arith.constant 0 : i32
      %parallel_loop3A_55 = arith.constant 40 : i32
      %parallel_loop3A_56 = arith.constant 1 : i32
      scf.for %parallel_loop3A_112 = %parallel_loop3A_54 to %parallel_loop3A_55 step %parallel_loop3A_56  : i32 {
        %parallel_loop3A_113 = arith.constant 16 : i32
        %parallel_loop3A_114 = arith.muli %parallel_loop3A_112, %parallel_loop3A_113 : i32
        %parallel_loop3A_115 = arith.constant 3840 : i32
        %parallel_loop3A_116 = arith.addi %parallel_loop3A_115, %parallel_loop3A_114 : i32
        %parallel_loop3A_117 = arith.index_cast %parallel_loop3A_116 : i32 to index
        %parallel_loop3A_118 = tpu.vector_load %arg7[%parallel_loop3A_117] {strides = array<i32>} : memref<10240xi32, #tpu.memory_space<vmem>>, vector<16xi32>,
        %parallel_loop3A_119 = arith.constant 16 : i32
        %parallel_loop3A_120 = arith.muli %parallel_loop3A_112, %parallel_loop3A_119 : i32
        %parallel_loop3A_121 = vector.broadcast %parallel_loop3A_120 : i32 to vector<16xi32>
        %parallel_loop3A_122 = arith.addi %parallel_loop3A_121, %iota3A : vector<16xi32>
        %parallel_loop3A_123 = arith.addi %add3A_51, %parallel_loop3A_122 : vector<16xi32>
        %parallel_loop3A_124 = arith.cmpi slt, %parallel_loop3A_122, %get3A_53 : vector<16xi32>
        tpu.vector_store_idx %arg9[%parallel_loop3A_123], %parallel_loop3A_118 masked %parallel_loop3A_124 : memref<10000xi32, #tpu.memory_space<vmem>>[vector<16xi32>], vector<16xi32>, vector<16xi1>
      } {sc.loop_unroll_factor = 1 : i64, sc.parallel_access}
      %add3A_57 = arith.addi %add3A_51, %get3A_53 : vector<16xi32>
      %get3A_58 = arith.constant 112 : index
      %get3A_59 = tpu.vector_load %arg8[%get3A_58] {strides = array<i32>} : memref<256xi32, #tpu.memory_space<vmem>>, vector<16xi32>,
      %parallel_loop3A_60 = arith.constant 0 : i32
      %parallel_loop3A_61 = arith.constant 40 : i32
      %parallel_loop3A_62 = arith.constant 1 : i32
      scf.for %parallel_loop3A_112 = %parallel_loop3A_60 to %parallel_loop3A_61 step %parallel_loop3A_62  : i32 {
        %parallel_loop3A_113 = arith.constant 16 : i32
        %parallel_loop3A_114 = arith.muli %parallel_loop3A_112, %parallel_loop3A_113 : i32
        %parallel_loop3A_115 = arith.constant 4480 : i32
        %parallel_loop3A_116 = arith.addi %parallel_loop3A_115, %parallel_loop3A_114 : i32
        %parallel_loop3A_117 = arith.index_cast %parallel_loop3A_116 : i32 to index
        %parallel_loop3A_118 = tpu.vector_load %arg7[%parallel_loop3A_117] {strides = array<i32>} : memref<10240xi32, #tpu.memory_space<vmem>>, vector<16xi32>,
        %parallel_loop3A_119 = arith.constant 16 : i32
        %parallel_loop3A_120 = arith.muli %parallel_loop3A_112, %parallel_loop3A_119 : i32
        %parallel_loop3A_121 = vector.broadcast %parallel_loop3A_120 : i32 to vector<16xi32>
        %parallel_loop3A_122 = arith.addi %parallel_loop3A_121, %iota3A : vector<16xi32>
        %parallel_loop3A_123 = arith.addi %add3A_57, %parallel_loop3A_122 : vector<16xi32>
        %parallel_loop3A_124 = arith.cmpi slt, %parallel_loop3A_122, %get3A_59 : vector<16xi32>
        tpu.vector_store_idx %arg9[%parallel_loop3A_123], %parallel_loop3A_118 masked %parallel_loop3A_124 : memref<10000xi32, #tpu.memory_space<vmem>>[vector<16xi32>], vector<16xi32>, vector<16xi1>
      } {sc.loop_unroll_factor = 1 : i64, sc.parallel_access}
      %add3A_63 = arith.addi %add3A_57, %get3A_59 : vector<16xi32>
      %get3A_64 = arith.constant 128 : index
      %get3A_65 = tpu.vector_load %arg8[%get3A_64] {strides = array<i32>} : memref<256xi32, #tpu.memory_space<vmem>>, vector<16xi32>,
      %parallel_loop3A_66 = arith.constant 0 : i32
      %parallel_loop3A_67 = arith.constant 40 : i32
      %parallel_loop3A_68 = arith.constant 1 : i32
      scf.for %parallel_loop3A_112 = %parallel_loop3A_66 to %parallel_loop3A_67 step %parallel_loop3A_68  : i32 {
        %parallel_loop3A_113 = arith.constant 16 : i32
        %parallel_loop3A_114 = arith.muli %parallel_loop3A_112, %parallel_loop3A_113 : i32
        %parallel_loop3A_115 = arith.constant 5120 : i32
        %parallel_loop3A_116 = arith.addi %parallel_loop3A_115, %parallel_loop3A_114 : i32
        %parallel_loop3A_117 = arith.index_cast %parallel_loop3A_116 : i32 to index
        %parallel_loop3A_118 = tpu.vector_load %arg7[%parallel_loop3A_117] {strides = array<i32>} : memref<10240xi32, #tpu.memory_space<vmem>>, vector<16xi32>,
        %parallel_loop3A_119 = arith.constant 16 : i32
        %parallel_loop3A_120 = arith.muli %parallel_loop3A_112, %parallel_loop3A_119 : i32
        %parallel_loop3A_121 = vector.broadcast %parallel_loop3A_120 : i32 to vector<16xi32>
        %parallel_loop3A_122 = arith.addi %parallel_loop3A_121, %iota3A : vector<16xi32>
        %parallel_loop3A_123 = arith.addi %add3A_63, %parallel_loop3A_122 : vector<16xi32>
        %parallel_loop3A_124 = arith.cmpi slt, %parallel_loop3A_122, %get3A_65 : vector<16xi32>
        tpu.vector_store_idx %arg9[%parallel_loop3A_123], %parallel_loop3A_118 masked %parallel_loop3A_124 : memref<10000xi32, #tpu.memory_space<vmem>>[vector<16xi32>], vector<16xi32>, vector<16xi1>
      } {sc.loop_unroll_factor = 1 : i64, sc.parallel_access}
      %add3A_69 = arith.addi %add3A_63, %get3A_65 : vector<16xi32>
      %get3A_70 = arith.constant 144 : index
      %get3A_71 = tpu.vector_load %arg8[%get3A_70] {strides = array<i32>} : memref<256xi32, #tpu.memory_space<vmem>>, vector<16xi32>,
      %parallel_loop3A_72 = arith.constant 0 : i32
      %parallel_loop3A_73 = arith.constant 40 : i32
      %parallel_loop3A_74 = arith.constant 1 : i32
      scf.for %parallel_loop3A_112 = %parallel_loop3A_72 to %parallel_loop3A_73 step %parallel_loop3A_74  : i32 {
        %parallel_loop3A_113 = arith.constant 16 : i32
        %parallel_loop3A_114 = arith.muli %parallel_loop3A_112, %parallel_loop3A_113 : i32
        %parallel_loop3A_115 = arith.constant 5760 : i32
        %parallel_loop3A_116 = arith.addi %parallel_loop3A_115, %parallel_loop3A_114 : i32
        %parallel_loop3A_117 = arith.index_cast %parallel_loop3A_116 : i32 to index
        %parallel_loop3A_118 = tpu.vector_load %arg7[%parallel_loop3A_117] {strides = array<i32>} : memref<10240xi32, #tpu.memory_space<vmem>>, vector<16xi32>,
        %parallel_loop3A_119 = arith.constant 16 : i32
        %parallel_loop3A_120 = arith.muli %parallel_loop3A_112, %parallel_loop3A_119 : i32
        %parallel_loop3A_121 = vector.broadcast %parallel_loop3A_120 : i32 to vector<16xi32>
        %parallel_loop3A_122 = arith.addi %parallel_loop3A_121, %iota3A : vector<16xi32>
        %parallel_loop3A_123 = arith.addi %add3A_69, %parallel_loop3A_122 : vector<16xi32>
        %parallel_loop3A_124 = arith.cmpi slt, %parallel_loop3A_122, %get3A_71 : vector<16xi32>
        tpu.vector_store_idx %arg9[%parallel_loop3A_123], %parallel_loop3A_118 masked %parallel_loop3A_124 : memref<10000xi32, #tpu.memory_space<vmem>>[vector<16xi32>], vector<16xi32>, vector<16xi1>
      } {sc.loop_unroll_factor = 1 : i64, sc.parallel_access}
      %add3A_75 = arith.addi %add3A_69, %get3A_71 : vector<16xi32>
      %get3A_76 = arith.constant 160 : index
      %get3A_77 = tpu.vector_load %arg8[%get3A_76] {strides = array<i32>} : memref<256xi32, #tpu.memory_space<vmem>>, vector<16xi32>,
      %parallel_loop3A_78 = arith.constant 0 : i32
      %parallel_loop3A_79 = arith.constant 40 : i32
      %parallel_loop3A_80 = arith.constant 1 : i32
      scf.for %parallel_loop3A_112 = %parallel_loop3A_78 to %parallel_loop3A_79 step %parallel_loop3A_80  : i32 {
        %parallel_loop3A_113 = arith.constant 16 : i32
        %parallel_loop3A_114 = arith.muli %parallel_loop3A_112, %parallel_loop3A_113 : i32
        %parallel_loop3A_115 = arith.constant 6400 : i32
        %parallel_loop3A_116 = arith.addi %parallel_loop3A_115, %parallel_loop3A_114 : i32
        %parallel_loop3A_117 = arith.index_cast %parallel_loop3A_116 : i32 to index
        %parallel_loop3A_118 = tpu.vector_load %arg7[%parallel_loop3A_117] {strides = array<i32>} : memref<10240xi32, #tpu.memory_space<vmem>>, vector<16xi32>,
        %parallel_loop3A_119 = arith.constant 16 : i32
        %parallel_loop3A_120 = arith.muli %parallel_loop3A_112, %parallel_loop3A_119 : i32
        %parallel_loop3A_121 = vector.broadcast %parallel_loop3A_120 : i32 to vector<16xi32>
        %parallel_loop3A_122 = arith.addi %parallel_loop3A_121, %iota3A : vector<16xi32>
        %parallel_loop3A_123 = arith.addi %add3A_75, %parallel_loop3A_122 : vector<16xi32>
        %parallel_loop3A_124 = arith.cmpi slt, %parallel_loop3A_122, %get3A_77 : vector<16xi32>
        tpu.vector_store_idx %arg9[%parallel_loop3A_123], %parallel_loop3A_118 masked %parallel_loop3A_124 : memref<10000xi32, #tpu.memory_space<vmem>>[vector<16xi32>], vector<16xi32>, vector<16xi1>
      } {sc.loop_unroll_factor = 1 : i64, sc.parallel_access}
      %add3A_81 = arith.addi %add3A_75, %get3A_77 : vector<16xi32>
      %get3A_82 = arith.constant 176 : index
      %get3A_83 = tpu.vector_load %arg8[%get3A_82] {strides = array<i32>} : memref<256xi32, #tpu.memory_space<vmem>>, vector<16xi32>,
      %parallel_loop3A_84 = arith.constant 0 : i32
      %parallel_loop3A_85 = arith.constant 40 : i32
      %parallel_loop3A_86 = arith.constant 1 : i32
      scf.for %parallel_loop3A_112 = %parallel_loop3A_84 to %parallel_loop3A_85 step %parallel_loop3A_86  : i32 {
        %parallel_loop3A_113 = arith.constant 16 : i32
        %parallel_loop3A_114 = arith.muli %parallel_loop3A_112, %parallel_loop3A_113 : i32
        %parallel_loop3A_115 = arith.constant 7040 : i32
        %parallel_loop3A_116 = arith.addi %parallel_loop3A_115, %parallel_loop3A_114 : i32
        %parallel_loop3A_117 = arith.index_cast %parallel_loop3A_116 : i32 to index
        %parallel_loop3A_118 = tpu.vector_load %arg7[%parallel_loop3A_117] {strides = array<i32>} : memref<10240xi32, #tpu.memory_space<vmem>>, vector<16xi32>,
        %parallel_loop3A_119 = arith.constant 16 : i32
        %parallel_loop3A_120 = arith.muli %parallel_loop3A_112, %parallel_loop3A_119 : i32
        %parallel_loop3A_121 = vector.broadcast %parallel_loop3A_120 : i32 to vector<16xi32>
        %parallel_loop3A_122 = arith.addi %parallel_loop3A_121, %iota3A : vector<16xi32>
        %parallel_loop3A_123 = arith.addi %add3A_81, %parallel_loop3A_122 : vector<16xi32>
        %parallel_loop3A_124 = arith.cmpi slt, %parallel_loop3A_122, %get3A_83 : vector<16xi32>
        tpu.vector_store_idx %arg9[%parallel_loop3A_123], %parallel_loop3A_118 masked %parallel_loop3A_124 : memref<10000xi32, #tpu.memory_space<vmem>>[vector<16xi32>], vector<16xi32>, vector<16xi1>
      } {sc.loop_unroll_factor = 1 : i64, sc.parallel_access}
      %add3A_87 = arith.addi %add3A_81, %get3A_83 : vector<16xi32>
      %get3A_88 = arith.constant 192 : index
      %get3A_89 = tpu.vector_load %arg8[%get3A_88] {strides = array<i32>} : memref<256xi32, #tpu.memory_space<vmem>>, vector<16xi32>,
      %parallel_loop3A_90 = arith.constant 0 : i32
      %parallel_loop3A_91 = arith.constant 40 : i32
      %parallel_loop3A_92 = arith.constant 1 : i32
      scf.for %parallel_loop3A_112 = %parallel_loop3A_90 to %parallel_loop3A_91 step %parallel_loop3A_92  : i32 {
        %parallel_loop3A_113 = arith.constant 16 : i32
        %parallel_loop3A_114 = arith.muli %parallel_loop3A_112, %parallel_loop3A_113 : i32
        %parallel_loop3A_115 = arith.constant 7680 : i32
        %parallel_loop3A_116 = arith.addi %parallel_loop3A_115, %parallel_loop3A_114 : i32
        %parallel_loop3A_117 = arith.index_cast %parallel_loop3A_116 : i32 to index
        %parallel_loop3A_118 = tpu.vector_load %arg7[%parallel_loop3A_117] {strides = array<i32>} : memref<10240xi32, #tpu.memory_space<vmem>>, vector<16xi32>,
        %parallel_loop3A_119 = arith.constant 16 : i32
        %parallel_loop3A_120 = arith.muli %parallel_loop3A_112, %parallel_loop3A_119 : i32
        %parallel_loop3A_121 = vector.broadcast %parallel_loop3A_120 : i32 to vector<16xi32>
        %parallel_loop3A_122 = arith.addi %parallel_loop3A_121, %iota3A : vector<16xi32>
        %parallel_loop3A_123 = arith.addi %add3A_87, %parallel_loop3A_122 : vector<16xi32>
        %parallel_loop3A_124 = arith.cmpi slt, %parallel_loop3A_122, %get3A_89 : vector<16xi32>
        tpu.vector_store_idx %arg9[%parallel_loop3A_123], %parallel_loop3A_118 masked %parallel_loop3A_124 : memref<10000xi32, #tpu.memory_space<vmem>>[vector<16xi32>], vector<16xi32>, vector<16xi1>
      } {sc.loop_unroll_factor = 1 : i64, sc.parallel_access}
      %add3A_93 = arith.addi %add3A_87, %get3A_89 : vector<16xi32>
      %get3A_94 = arith.constant 208 : index
      %get3A_95 = tpu.vector_load %arg8[%get3A_94] {strides = array<i32>} : memref<256xi32, #tpu.memory_space<vmem>>, vector<16xi32>,
      %parallel_loop3A_96 = arith.constant 0 : i32
      %parallel_loop3A_97 = arith.constant 40 : i32
      %parallel_loop3A_98 = arith.constant 1 : i32
      scf.for %parallel_loop3A_112 = %parallel_loop3A_96 to %parallel_loop3A_97 step %parallel_loop3A_98  : i32 {
        %parallel_loop3A_113 = arith.constant 16 : i32
        %parallel_loop3A_114 = arith.muli %parallel_loop3A_112, %parallel_loop3A_113 : i32
        %parallel_loop3A_115 = arith.constant 8320 : i32
        %parallel_loop3A_116 = arith.addi %parallel_loop3A_115, %parallel_loop3A_114 : i32
        %parallel_loop3A_117 = arith.index_cast %parallel_loop3A_116 : i32 to index
        %parallel_loop3A_118 = tpu.vector_load %arg7[%parallel_loop3A_117] {strides = array<i32>} : memref<10240xi32, #tpu.memory_space<vmem>>, vector<16xi32>,
        %parallel_loop3A_119 = arith.constant 16 : i32
        %parallel_loop3A_120 = arith.muli %parallel_loop3A_112, %parallel_loop3A_119 : i32
        %parallel_loop3A_121 = vector.broadcast %parallel_loop3A_120 : i32 to vector<16xi32>
        %parallel_loop3A_122 = arith.addi %parallel_loop3A_121, %iota3A : vector<16xi32>
        %parallel_loop3A_123 = arith.addi %add3A_93, %parallel_loop3A_122 : vector<16xi32>
        %parallel_loop3A_124 = arith.cmpi slt, %parallel_loop3A_122, %get3A_95 : vector<16xi32>
        tpu.vector_store_idx %arg9[%parallel_loop3A_123], %parallel_loop3A_118 masked %parallel_loop3A_124 : memref<10000xi32, #tpu.memory_space<vmem>>[vector<16xi32>], vector<16xi32>, vector<16xi1>
      } {sc.loop_unroll_factor = 1 : i64, sc.parallel_access}
      %add3A_99 = arith.addi %add3A_93, %get3A_95 : vector<16xi32>
      %get3A_100 = arith.constant 224 : index
      %get3A_101 = tpu.vector_load %arg8[%get3A_100] {strides = array<i32>} : memref<256xi32, #tpu.memory_space<vmem>>, vector<16xi32>,
      %parallel_loop3A_102 = arith.constant 0 : i32
      %parallel_loop3A_103 = arith.constant 40 : i32
      %parallel_loop3A_104 = arith.constant 1 : i32
      scf.for %parallel_loop3A_112 = %parallel_loop3A_102 to %parallel_loop3A_103 step %parallel_loop3A_104  : i32 {
        %parallel_loop3A_113 = arith.constant 16 : i32
        %parallel_loop3A_114 = arith.muli %parallel_loop3A_112, %parallel_loop3A_113 : i32
        %parallel_loop3A_115 = arith.constant 8960 : i32
        %parallel_loop3A_116 = arith.addi %parallel_loop3A_115, %parallel_loop3A_114 : i32
        %parallel_loop3A_117 = arith.index_cast %parallel_loop3A_116 : i32 to index
        %parallel_loop3A_118 = tpu.vector_load %arg7[%parallel_loop3A_117] {strides = array<i32>} : memref<10240xi32, #tpu.memory_space<vmem>>, vector<16xi32>,
        %parallel_loop3A_119 = arith.constant 16 : i32
        %parallel_loop3A_120 = arith.muli %parallel_loop3A_112, %parallel_loop3A_119 : i32
        %parallel_loop3A_121 = vector.broadcast %parallel_loop3A_120 : i32 to vector<16xi32>
        %parallel_loop3A_122 = arith.addi %parallel_loop3A_121, %iota3A : vector<16xi32>
        %parallel_loop3A_123 = arith.addi %add3A_99, %parallel_loop3A_122 : vector<16xi32>
        %parallel_loop3A_124 = arith.cmpi slt, %parallel_loop3A_122, %get3A_101 : vector<16xi32>
        tpu.vector_store_idx %arg9[%parallel_loop3A_123], %parallel_loop3A_118 masked %parallel_loop3A_124 : memref<10000xi32, #tpu.memory_space<vmem>>[vector<16xi32>], vector<16xi32>, vector<16xi1>
      } {sc.loop_unroll_factor = 1 : i64, sc.parallel_access}
      %add3A_105 = arith.addi %add3A_99, %get3A_101 : vector<16xi32>
      %get3A_106 = arith.constant 240 : index
      %get3A_107 = tpu.vector_load %arg8[%get3A_106] {strides = array<i32>} : memref<256xi32, #tpu.memory_space<vmem>>, vector<16xi32>,
      %parallel_loop3A_108 = arith.constant 0 : i32
      %parallel_loop3A_109 = arith.constant 40 : i32
      %parallel_loop3A_110 = arith.constant 1 : i32
      scf.for %parallel_loop3A_112 = %parallel_loop3A_108 to %parallel_loop3A_109 step %parallel_loop3A_110  : i32 {
        %parallel_loop3A_113 = arith.constant 16 : i32
        %parallel_loop3A_114 = arith.muli %parallel_loop3A_112, %parallel_loop3A_113 : i32
        %parallel_loop3A_115 = arith.constant 9600 : i32
        %parallel_loop3A_116 = arith.addi %parallel_loop3A_115, %parallel_loop3A_114 : i32
        %parallel_loop3A_117 = arith.index_cast %parallel_loop3A_116 : i32 to index
        %parallel_loop3A_118 = tpu.vector_load %arg7[%parallel_loop3A_117] {strides = array<i32>} : memref<10240xi32, #tpu.memory_space<vmem>>, vector<16xi32>,
        %parallel_loop3A_119 = arith.constant 16 : i32
        %parallel_loop3A_120 = arith.muli %parallel_loop3A_112, %parallel_loop3A_119 : i32
        %parallel_loop3A_121 = vector.broadcast %parallel_loop3A_120 : i32 to vector<16xi32>
        %parallel_loop3A_122 = arith.addi %parallel_loop3A_121, %iota3A : vector<16xi32>
        %parallel_loop3A_123 = arith.addi %add3A_105, %parallel_loop3A_122 : vector<16xi32>
        %parallel_loop3A_124 = arith.cmpi slt, %parallel_loop3A_122, %get3A_107 : vector<16xi32>
        tpu.vector_store_idx %arg9[%parallel_loop3A_123], %parallel_loop3A_118 masked %parallel_loop3A_124 : memref<10000xi32, #tpu.memory_space<vmem>>[vector<16xi32>], vector<16xi32>, vector<16xi1>
      } {sc.loop_unroll_factor = 1 : i64, sc.parallel_access}
      %add3A_111 = arith.addi %add3A_105, %get3A_107 : vector<16xi32>
      "tpu.region"() ({
        %run_scoped3A = tpu.sem_alloc : memref<!tpu.dma_semaphore, #tpu.memory_space<semaphore_mem>>
        tpu.enqueue_dma source(%arg9 : memref<10000xi32, #tpu.memory_space<vmem>>) target(%arg3 : memref<10000xi32, #tpu.memory_space<hbm>>) target_semaphore(%run_scoped3A : memref<!tpu.dma_semaphore, #tpu.memory_space<semaphore_mem>>)
        tpu.wait_dma2 semaphore(%run_scoped3A : memref<!tpu.dma_semaphore, #tpu.memory_space<semaphore_mem>>) src(%arg9 : memref<10000xi32, #tpu.memory_space<vmem>>) dst(%arg3 : memref<10000xi32, #tpu.memory_space<hbm>>)
        tpu.yield
      }) : () -> ()
    } else {
    }
    return
  }
}

module attributes {stable_mosaic.version = 14 : i64} {
  func.func @_attn_body(%arg0: i32, %arg1: memref<2000x128xf32, #tpu.memory_space<vmem>>, %arg2: memref<2000x64xi32, #tpu.memory_space<vmem>>, %arg3: memref<64x128xf32, #tpu.memory_space<vmem>>, %arg4: memref<128x128xf32, #tpu.memory_space<vmem>>, %arg5: memref<1x128xf32, #tpu.memory_space<vmem>>, %arg6: memref<384x128xf32, #tpu.memory_space<vmem>>, %arg7: memref<3x128xf32, #tpu.memory_space<vmem>>, %arg8: memref<128x128xf32, #tpu.memory_space<vmem>>, %arg9: memref<1x128xf32, #tpu.memory_space<vmem>>, %arg10: memref<2000x128xf32, #tpu.memory_space<vmem>>, %arg11: memref<256x128xf32, #tpu.memory_space<vmem>>, %arg12: memref<256x128xf32, #tpu.memory_space<vmem>>, %arg13: memref<256x128xf32, #tpu.memory_space<vmem>>) attributes {dimension_semantics = [#tpu.dimension_semantics<arbitrary>], iteration_bounds = array<i64: 5>, scalar_prefetch = 0 : i64, scratch_operands = 3 : i64, tpu.core_type = #tpu.core_type<tc>, window_params = [{transform_indices = @transform_0, window_bounds = array<i64: 2000, 128>}, {transform_indices = @transform_1, window_bounds = array<i64: 2000, 64>}, {pipeline_mode = #tpu.pipeline_mode<synchronous>, transform_indices = @transform_2, window_bounds = array<i64: 64, 128>}, {pipeline_mode = #tpu.pipeline_mode<synchronous>, transform_indices = @transform_3, window_bounds = array<i64: 128, 128>}, {pipeline_mode = #tpu.pipeline_mode<synchronous>, transform_indices = @transform_4, window_bounds = array<i64: 1, 128>}, {pipeline_mode = #tpu.pipeline_mode<synchronous>, transform_indices = @transform_5, window_bounds = array<i64: 384, 128>}, {pipeline_mode = #tpu.pipeline_mode<synchronous>, transform_indices = @transform_6, window_bounds = array<i64: 3, 128>}, {pipeline_mode = #tpu.pipeline_mode<synchronous>, transform_indices = @transform_7, window_bounds = array<i64: 128, 128>}, {pipeline_mode = #tpu.pipeline_mode<synchronous>, transform_indices = @transform_8, window_bounds = array<i64: 1, 128>}, {transform_indices = @transform_9, window_bounds = array<i64: 2000, 128>}]} {
    %eq3A = arith.constant 0 : i32
    %eq3A_0 = arith.cmpi eq, %arg0, %eq3A : i32
    %convert_element_type3A = arith.extui %eq3A_0 : i1 to i32
    %cond3A = arith.constant 0 : i32
    %cond3A_1 = arith.cmpi ne, %convert_element_type3A, %cond3A : i32
    scf.if %cond3A_1 {
      %get3A_59 = arith.constant 0 : index
      %get3A_60 = arith.constant 0 : index
      %get3A_61 = vector.load %arg3[%get3A_59, %get3A_60] : memref<64x128xf32, #tpu.memory_space<vmem>>, vector<64x128xf32>
      %get3A_62 = arith.constant 0 : index
      %get3A_63 = arith.constant 0 : index
      %get3A_64 = vector.load %arg4[%get3A_62, %get3A_63] : memref<128x128xf32, #tpu.memory_space<vmem>>, vector<128x128xf32>
      %dot_general3A_65 = arith.constant dense<0.000000e+00> : vector<64x128xf32>
      %dot_general3A_66 = tpu.matmul %get3A_61, %get3A_64, %dot_general3A_65 {dimension_numbers = #tpu.dot_dimension_numbers<[1], [1], [0], [0], [0, 0, 1, 0], [], []>, transpose_lhs_hint = false} : vector<64x128xf32>, vector<128x128xf32>, vector<64x128xf32> -> vector<64x128xf32>
      %get3A_67 = arith.constant 0 : index
      %get3A_68 = arith.constant 0 : index
      %get3A_69 = vector.load %arg5[%get3A_67, %get3A_68] : memref<1x128xf32, #tpu.memory_space<vmem>>, vector<1x128xf32>
      %add3A_70 = vector.broadcast %get3A_69 : vector<1x128xf32> to vector<64x128xf32>
      %add3A_71 = arith.addf %dot_general3A_66, %add3A_70 : vector<64x128xf32>
      %max3A = arith.constant 0.000000e+00 : f32
      %max3A_72 = vector.broadcast %max3A : f32 to vector<64x128xf32>
      %max3A_73 = arith.maximumf %add3A_71, %max3A_72 : vector<64x128xf32>
      %get3A_74 = arith.constant 128 : index
      %get3A_75 = arith.constant 0 : index
      %get3A_76 = vector.load %arg6[%get3A_74, %get3A_75] : memref<384x128xf32, #tpu.memory_space<vmem>>, vector<128x128xf32>
      %dot_general3A_77 = arith.constant dense<0.000000e+00> : vector<64x128xf32>
      %dot_general3A_78 = tpu.matmul %max3A_73, %get3A_76, %dot_general3A_77 {dimension_numbers = #tpu.dot_dimension_numbers<[1], [1], [0], [0], [0, 0, 1, 0], [], []>, transpose_lhs_hint = false} : vector<64x128xf32>, vector<128x128xf32>, vector<64x128xf32> -> vector<64x128xf32>
      %get3A_79 = arith.constant 1 : index
      %get3A_80 = arith.constant 0 : index
      %get3A_81 = vector.load %arg7[%get3A_79, %get3A_80] : memref<3x128xf32, #tpu.memory_space<vmem>>, vector<1x128xf32>
      %add3A_82 = vector.broadcast %get3A_81 : vector<1x128xf32> to vector<64x128xf32>
      %add3A_83 = arith.addf %dot_general3A_78, %add3A_82 : vector<64x128xf32>
      %get3A_84 = arith.constant 256 : index
      %get3A_85 = arith.constant 0 : index
      %get3A_86 = vector.load %arg6[%get3A_84, %get3A_85] : memref<384x128xf32, #tpu.memory_space<vmem>>, vector<128x128xf32>
      %dot_general3A_87 = arith.constant dense<0.000000e+00> : vector<64x128xf32>
      %dot_general3A_88 = tpu.matmul %max3A_73, %get3A_86, %dot_general3A_87 {dimension_numbers = #tpu.dot_dimension_numbers<[1], [1], [0], [0], [0, 0, 1, 0], [], []>, transpose_lhs_hint = false} : vector<64x128xf32>, vector<128x128xf32>, vector<64x128xf32> -> vector<64x128xf32>
      %get3A_89 = arith.constant 2 : index
      %get3A_90 = arith.constant 0 : index
      %get3A_91 = vector.load %arg7[%get3A_89, %get3A_90] : memref<3x128xf32, #tpu.memory_space<vmem>>, vector<1x128xf32>
      %add3A_92 = vector.broadcast %get3A_91 : vector<1x128xf32> to vector<64x128xf32>
      %add3A_93 = arith.addf %dot_general3A_88, %add3A_92 : vector<64x128xf32>
      %broadcast_in_dim3A_94 = arith.constant 0.000000e+00 : f32
      %broadcast_in_dim3A_95 = vector.broadcast %broadcast_in_dim3A_94 : f32 to vector<256x128xf32>
      %swap3A_96 = arith.constant 0 : index
      %swap3A_97 = arith.constant 0 : index
      %swap3A_98 = vector.load %arg11[%swap3A_96, %swap3A_97] : memref<256x128xf32, #tpu.memory_space<vmem>>, vector<256x128xf32>
      tpu.vector_store %arg11[%swap3A_96, %swap3A_97], %broadcast_in_dim3A_95 {strides = array<i32>} : memref<256x128xf32, #tpu.memory_space<vmem>>, vector<256x128xf32>,
      %broadcast_in_dim3A_99 = arith.constant 0.000000e+00 : f32
      %broadcast_in_dim3A_100 = vector.broadcast %broadcast_in_dim3A_99 : f32 to vector<256x128xf32>
      %swap3A_101 = arith.constant 0 : index
      %swap3A_102 = arith.constant 0 : index
      %swap3A_103 = vector.load %arg12[%swap3A_101, %swap3A_102] : memref<256x128xf32, #tpu.memory_space<vmem>>, vector<256x128xf32>
      tpu.vector_store %arg12[%swap3A_101, %swap3A_102], %broadcast_in_dim3A_100 {strides = array<i32>} : memref<256x128xf32, #tpu.memory_space<vmem>>, vector<256x128xf32>,
      %slice3A = vector.extract_strided_slice %add3A_83 {offsets = [0, 0], sizes = [64, 32], strides = [1, 1]} : vector<64x128xf32> to vector<64x32xf32>
      %swap3A_104 = arith.constant 0 : index
      %swap3A_105 = arith.constant 0 : index
      %swap3A_106 = vector.load %arg11[%swap3A_104, %swap3A_105] : memref<256x128xf32, #tpu.memory_space<vmem>>, vector<64x32xf32>
      tpu.vector_store %arg11[%swap3A_104, %swap3A_105], %slice3A {strides = array<i32>} : memref<256x128xf32, #tpu.memory_space<vmem>>, vector<64x32xf32>,
      %slice3A_107 = vector.extract_strided_slice %add3A_93 {offsets = [0, 0], sizes = [64, 32], strides = [1, 1]} : vector<64x128xf32> to vector<64x32xf32>
      %swap3A_108 = arith.constant 0 : index
      %swap3A_109 = arith.constant 0 : index
      %swap3A_110 = vector.load %arg12[%swap3A_108, %swap3A_109] : memref<256x128xf32, #tpu.memory_space<vmem>>, vector<64x32xf32>
      tpu.vector_store %arg12[%swap3A_108, %swap3A_109], %slice3A_107 {strides = array<i32>} : memref<256x128xf32, #tpu.memory_space<vmem>>, vector<64x32xf32>,
      %slice3A_111 = vector.extract_strided_slice %add3A_83 {offsets = [0, 32], sizes = [64, 32], strides = [1, 1]} : vector<64x128xf32> to vector<64x32xf32>
      %swap3A_112 = arith.constant 64 : index
      %swap3A_113 = arith.constant 32 : index
      %swap3A_114 = vector.load %arg11[%swap3A_112, %swap3A_113] : memref<256x128xf32, #tpu.memory_space<vmem>>, vector<64x32xf32>
      tpu.vector_store %arg11[%swap3A_112, %swap3A_113], %slice3A_111 {strides = array<i32>} : memref<256x128xf32, #tpu.memory_space<vmem>>, vector<64x32xf32>,
      %slice3A_115 = vector.extract_strided_slice %add3A_93 {offsets = [0, 32], sizes = [64, 32], strides = [1, 1]} : vector<64x128xf32> to vector<64x32xf32>
      %swap3A_116 = arith.constant 64 : index
      %swap3A_117 = arith.constant 32 : index
      %swap3A_118 = vector.load %arg12[%swap3A_116, %swap3A_117] : memref<256x128xf32, #tpu.memory_space<vmem>>, vector<64x32xf32>
      tpu.vector_store %arg12[%swap3A_116, %swap3A_117], %slice3A_115 {strides = array<i32>} : memref<256x128xf32, #tpu.memory_space<vmem>>, vector<64x32xf32>,
      %slice3A_119 = vector.extract_strided_slice %add3A_83 {offsets = [0, 64], sizes = [64, 32], strides = [1, 1]} : vector<64x128xf32> to vector<64x32xf32>
      %swap3A_120 = arith.constant 128 : index
      %swap3A_121 = arith.constant 64 : index
      %swap3A_122 = vector.load %arg11[%swap3A_120, %swap3A_121] : memref<256x128xf32, #tpu.memory_space<vmem>>, vector<64x32xf32>
      tpu.vector_store %arg11[%swap3A_120, %swap3A_121], %slice3A_119 {strides = array<i32>} : memref<256x128xf32, #tpu.memory_space<vmem>>, vector<64x32xf32>,
      %slice3A_123 = vector.extract_strided_slice %add3A_93 {offsets = [0, 64], sizes = [64, 32], strides = [1, 1]} : vector<64x128xf32> to vector<64x32xf32>
      %swap3A_124 = arith.constant 128 : index
      %swap3A_125 = arith.constant 64 : index
      %swap3A_126 = vector.load %arg12[%swap3A_124, %swap3A_125] : memref<256x128xf32, #tpu.memory_space<vmem>>, vector<64x32xf32>
      tpu.vector_store %arg12[%swap3A_124, %swap3A_125], %slice3A_123 {strides = array<i32>} : memref<256x128xf32, #tpu.memory_space<vmem>>, vector<64x32xf32>,
      %slice3A_127 = vector.extract_strided_slice %add3A_83 {offsets = [0, 96], sizes = [64, 32], strides = [1, 1]} : vector<64x128xf32> to vector<64x32xf32>
      %swap3A_128 = arith.constant 192 : index
      %swap3A_129 = arith.constant 96 : index
      %swap3A_130 = vector.load %arg11[%swap3A_128, %swap3A_129] : memref<256x128xf32, #tpu.memory_space<vmem>>, vector<64x32xf32>
      tpu.vector_store %arg11[%swap3A_128, %swap3A_129], %slice3A_127 {strides = array<i32>} : memref<256x128xf32, #tpu.memory_space<vmem>>, vector<64x32xf32>,
      %slice3A_131 = vector.extract_strided_slice %add3A_93 {offsets = [0, 96], sizes = [64, 32], strides = [1, 1]} : vector<64x128xf32> to vector<64x32xf32>
      %swap3A_132 = arith.constant 192 : index
      %swap3A_133 = arith.constant 96 : index
      %swap3A_134 = vector.load %arg12[%swap3A_132, %swap3A_133] : memref<256x128xf32, #tpu.memory_space<vmem>>, vector<64x32xf32>
      tpu.vector_store %arg12[%swap3A_132, %swap3A_133], %slice3A_131 {strides = array<i32>} : memref<256x128xf32, #tpu.memory_space<vmem>>, vector<64x32xf32>,
      %iota3A = tpu.iota {dimensions = array<i32: 0>} : vector<256x128xi32>
      %jit3A_135 = arith.constant 64 : i32
      %div3A_136 = vector.broadcast %jit3A_135 : i32 to vector<256x128xi32>
      %div3A_137 = arith.divsi %iota3A, %div3A_136 : vector<256x128xi32>
      %sign3A = arith.constant 0 : i32
      %sign3A_138 = vector.broadcast %sign3A : i32 to vector<256x128xi32>
      %sign3A_139 = arith.cmpi sgt, %iota3A, %sign3A_138 : vector<256x128xi32>
      %sign3A_140 = arith.extui %sign3A_139 : vector<256x128xi1> to vector<256x128xi32>
      %sign3A_141 = arith.constant 0 : i32
      %sign3A_142 = vector.broadcast %sign3A_141 : i32 to vector<256x128xi32>
      %sign3A_143 = arith.cmpi slt, %iota3A, %sign3A_142 : vector<256x128xi32>
      %sign3A_144 = arith.extui %sign3A_143 : vector<256x128xi1> to vector<256x128xi32>
      %sign3A_145 = arith.subi %sign3A_140, %sign3A_144 : vector<256x128xi32>
      %sign3A_146 = arith.constant 0 : i32
      %sign3A_147 = arith.cmpi sgt, %jit3A_135, %sign3A_146 : i32
      %sign3A_148 = arith.extui %sign3A_147 : i1 to i32
      %sign3A_149 = arith.constant 0 : i32
      %sign3A_150 = arith.cmpi slt, %jit3A_135, %sign3A_149 : i32
      %sign3A_151 = arith.extui %sign3A_150 : i1 to i32
      %sign3A_152 = arith.subi %sign3A_148, %sign3A_151 : i32
      %ne3A = vector.broadcast %sign3A_152 : i32 to vector<256x128xi32>
      %ne3A_153 = arith.cmpi ne, %sign3A_145, %ne3A : vector<256x128xi32>
      %rem3A = vector.broadcast %jit3A_135 : i32 to vector<256x128xi32>
      %rem3A_154 = arith.remsi %iota3A, %rem3A : vector<256x128xi32>
      %ne3A_155 = arith.constant 0 : i32
      %ne3A_156 = vector.broadcast %ne3A_155 : i32 to vector<256x128xi32>
      %ne3A_157 = arith.cmpi ne, %rem3A_154, %ne3A_156 : vector<256x128xi32>
      %and3A = arith.andi %ne3A_153, %ne3A_157 : vector<256x128xi1>
      %sub3A_158 = arith.constant 1 : i32
      %sub3A_159 = vector.broadcast %sub3A_158 : i32 to vector<256x128xi32>
      %sub3A_160 = arith.subi %div3A_137, %sub3A_159 : vector<256x128xi32>
      %select_n3A_161 = arith.select %and3A, %sub3A_160, %div3A_137 : vector<256x128xi1>, vector<256x128xi32>
      %iota3A_162 = tpu.iota {dimensions = array<i32: 1>} : vector<256x128xi32>
      %jit3A_163 = arith.constant 32 : i32
      %div3A_164 = vector.broadcast %jit3A_163 : i32 to vector<256x128xi32>
      %div3A_165 = arith.divsi %iota3A_162, %div3A_164 : vector<256x128xi32>
      %sign3A_166 = arith.constant 0 : i32
      %sign3A_167 = vector.broadcast %sign3A_166 : i32 to vector<256x128xi32>
      %sign3A_168 = arith.cmpi sgt, %iota3A_162, %sign3A_167 : vector<256x128xi32>
      %sign3A_169 = arith.extui %sign3A_168 : vector<256x128xi1> to vector<256x128xi32>
      %sign3A_170 = arith.constant 0 : i32
      %sign3A_171 = vector.broadcast %sign3A_170 : i32 to vector<256x128xi32>
      %sign3A_172 = arith.cmpi slt, %iota3A_162, %sign3A_171 : vector<256x128xi32>
      %sign3A_173 = arith.extui %sign3A_172 : vector<256x128xi1> to vector<256x128xi32>
      %sign3A_174 = arith.subi %sign3A_169, %sign3A_173 : vector<256x128xi32>
      %sign3A_175 = arith.constant 0 : i32
      %sign3A_176 = arith.cmpi sgt, %jit3A_163, %sign3A_175 : i32
      %sign3A_177 = arith.extui %sign3A_176 : i1 to i32
      %sign3A_178 = arith.constant 0 : i32
      %sign3A_179 = arith.cmpi slt, %jit3A_163, %sign3A_178 : i32
      %sign3A_180 = arith.extui %sign3A_179 : i1 to i32
      %sign3A_181 = arith.subi %sign3A_177, %sign3A_180 : i32
      %ne3A_182 = vector.broadcast %sign3A_181 : i32 to vector<256x128xi32>
      %ne3A_183 = arith.cmpi ne, %sign3A_174, %ne3A_182 : vector<256x128xi32>
      %rem3A_184 = vector.broadcast %jit3A_163 : i32 to vector<256x128xi32>
      %rem3A_185 = arith.remsi %iota3A_162, %rem3A_184 : vector<256x128xi32>
      %ne3A_186 = arith.constant 0 : i32
      %ne3A_187 = vector.broadcast %ne3A_186 : i32 to vector<256x128xi32>
      %ne3A_188 = arith.cmpi ne, %rem3A_185, %ne3A_187 : vector<256x128xi32>
      %and3A_189 = arith.andi %ne3A_183, %ne3A_188 : vector<256x128xi1>
      %sub3A_190 = arith.constant 1 : i32
      %sub3A_191 = vector.broadcast %sub3A_190 : i32 to vector<256x128xi32>
      %sub3A_192 = arith.subi %div3A_165, %sub3A_191 : vector<256x128xi32>
      %select_n3A_193 = arith.select %and3A_189, %sub3A_192, %div3A_165 : vector<256x128xi1>, vector<256x128xi32>
      %eq3A_194 = arith.cmpi eq, %select_n3A_161, %select_n3A_193 : vector<256x128xi32>
      %convert_element_type3A_195 = arith.extui %eq3A_194 : vector<256x128xi1> to vector<256x128xi32>
      %convert_element_type3A_196 = arith.sitofp %convert_element_type3A_195 : vector<256x128xi32> to vector<256x128xf32>
      %swap3A_197 = arith.constant 0 : index
      %swap3A_198 = arith.constant 0 : index
      %swap3A_199 = vector.load %arg13[%swap3A_197, %swap3A_198] : memref<256x128xf32, #tpu.memory_space<vmem>>, vector<256x128xf32>
      tpu.vector_store %arg13[%swap3A_197, %swap3A_198], %convert_element_type3A_196 {strides = array<i32>} : memref<256x128xf32, #tpu.memory_space<vmem>>, vector<256x128xf32>,
    } else {
    }
    %get3A = arith.constant 0 : index
    %get3A_2 = arith.constant 0 : index
    %get3A_3 = vector.load %arg1[%get3A, %get3A_2] : memref<2000x128xf32, #tpu.memory_space<vmem>>, vector<2000x128xf32>
    %get3A_4 = arith.constant 0 : index
    %get3A_5 = arith.constant 0 : index
    %get3A_6 = vector.load %arg6[%get3A_4, %get3A_5] : memref<384x128xf32, #tpu.memory_space<vmem>>, vector<128x128xf32>
    %dot_general3A = arith.constant dense<0.000000e+00> : vector<2000x128xf32>
    %dot_general3A_7 = tpu.matmul %get3A_3, %get3A_6, %dot_general3A {dimension_numbers = #tpu.dot_dimension_numbers<[1], [1], [0], [0], [0, 0, 1, 0], [], []>, transpose_lhs_hint = false} : vector<2000x128xf32>, vector<128x128xf32>, vector<2000x128xf32> -> vector<2000x128xf32>
    %get3A_8 = arith.constant 0 : index
    %get3A_9 = arith.constant 0 : index
    %get3A_10 = vector.load %arg7[%get3A_8, %get3A_9] : memref<3x128xf32, #tpu.memory_space<vmem>>, vector<1x128xf32>
    %add3A = vector.broadcast %get3A_10 : vector<1x128xf32> to vector<2000x128xf32>
    %add3A_11 = arith.addf %dot_general3A_7, %add3A : vector<2000x128xf32>
    %mul3A = arith.constant 0.176776692 : f32
    %mul3A_12 = vector.broadcast %mul3A : f32 to vector<2000x128xf32>
    %mul3A_13 = arith.mulf %add3A_11, %mul3A_12 : vector<2000x128xf32>
    %get3A_14 = arith.constant 0 : index
    %get3A_15 = arith.constant 0 : index
    %get3A_16 = vector.load %arg2[%get3A_14, %get3A_15] : memref<2000x64xi32, #tpu.memory_space<vmem>>, vector<2000x64xi32>
    %convert_element_type3A_17 = arith.sitofp %get3A_16 : vector<2000x64xi32> to vector<2000x64xf32>
    %sub3A = arith.constant 1.000000e+00 : f32
    %sub3A_18 = vector.broadcast %sub3A : f32 to vector<2000x64xf32>
    %sub3A_19 = arith.subf %convert_element_type3A_17, %sub3A_18 : vector<2000x64xf32>
    %mul3A_20 = arith.constant 1.000000e+30 : f32
    %mul3A_21 = vector.broadcast %mul3A_20 : f32 to vector<2000x64xf32>
    %mul3A_22 = arith.mulf %sub3A_19, %mul3A_21 : vector<2000x64xf32>
    %concatenate3A = tpu.concatenate %mul3A_22, %mul3A_22, %mul3A_22, %mul3A_22 in 1 : vector<2000x64xf32>, vector<2000x64xf32>, vector<2000x64xf32>, vector<2000x64xf32> -> vector<2000x256xf32>
    %get3A_23 = arith.constant 0 : index
    %get3A_24 = arith.constant 0 : index
    %get3A_25 = vector.load %arg11[%get3A_23, %get3A_24] : memref<256x128xf32, #tpu.memory_space<vmem>>, vector<256x128xf32>
    %dot_general3A_26 = arith.constant dense<0.000000e+00> : vector<2000x256xf32>
    %dot_general3A_27 = tpu.matmul %mul3A_13, %get3A_25, %dot_general3A_26 {dimension_numbers = #tpu.dot_dimension_numbers<[1], [1], [0], [0], [0, 0, 1, 0], [], []>, transpose_lhs_hint = false} : vector<2000x128xf32>, vector<256x128xf32>, vector<2000x256xf32> -> vector<2000x256xf32>
    %add3A_28 = arith.addf %dot_general3A_27, %concatenate3A : vector<2000x256xf32>
    %reduce_max3A = arith.constant dense<0xFF800000> : vector<2000xf32>
    %reduce_max3A_29 = vector.multi_reduction <maximumf>, %add3A_28, %reduce_max3A [1] : vector<2000x256xf32> to vector<2000xf32>
    %broadcast_in_dim3A = vector.shape_cast %reduce_max3A_29 : vector<2000xf32> to vector<2000x1xf32>
    %sub3A_30 = vector.broadcast %broadcast_in_dim3A : vector<2000x1xf32> to vector<2000x256xf32>
    %sub3A_31 = arith.subf %add3A_28, %sub3A_30 : vector<2000x256xf32>
    %exp3A = math.exp %sub3A_31 : vector<2000x256xf32>
    %get3A_32 = arith.constant 0 : index
    %get3A_33 = arith.constant 0 : index
    %get3A_34 = vector.load %arg13[%get3A_32, %get3A_33] : memref<256x128xf32, #tpu.memory_space<vmem>>, vector<256x128xf32>
    %dot_general3A_35 = arith.constant dense<0.000000e+00> : vector<2000x128xf32>
    %dot_general3A_36 = tpu.matmul %exp3A, %get3A_34, %dot_general3A_35 {dimension_numbers = #tpu.dot_dimension_numbers<[1], [0], [0], [1], [0, 0, 1, 1], [], []>, transpose_lhs_hint = false} : vector<2000x256xf32>, vector<256x128xf32>, vector<2000x128xf32> -> vector<2000x128xf32>
    %get3A_37 = arith.constant 0 : index
    %get3A_38 = arith.constant 0 : index
    %get3A_39 = vector.load %arg12[%get3A_37, %get3A_38] : memref<256x128xf32, #tpu.memory_space<vmem>>, vector<256x128xf32>
    %dot_general3A_40 = arith.constant dense<0.000000e+00> : vector<2000x128xf32>
    %dot_general3A_41 = tpu.matmul %exp3A, %get3A_39, %dot_general3A_40 {dimension_numbers = #tpu.dot_dimension_numbers<[1], [0], [0], [1], [0, 0, 1, 1], [], []>, transpose_lhs_hint = false} : vector<2000x256xf32>, vector<256x128xf32>, vector<2000x128xf32> -> vector<2000x128xf32>
    %div3A = arith.divf %dot_general3A_41, %dot_general3A_36 : vector<2000x128xf32>
    %get3A_42 = arith.constant 0 : index
    %get3A_43 = arith.constant 0 : index
    %get3A_44 = vector.load %arg8[%get3A_42, %get3A_43] : memref<128x128xf32, #tpu.memory_space<vmem>>, vector<128x128xf32>
    %dot_general3A_45 = arith.constant dense<0.000000e+00> : vector<2000x128xf32>
    %dot_general3A_46 = tpu.matmul %div3A, %get3A_44, %dot_general3A_45 {dimension_numbers = #tpu.dot_dimension_numbers<[1], [1], [0], [0], [0, 0, 1, 0], [], []>, transpose_lhs_hint = false} : vector<2000x128xf32>, vector<128x128xf32>, vector<2000x128xf32> -> vector<2000x128xf32>
    %get3A_47 = arith.constant 0 : index
    %get3A_48 = arith.constant 0 : index
    %get3A_49 = vector.load %arg9[%get3A_47, %get3A_48] : memref<1x128xf32, #tpu.memory_space<vmem>>, vector<1x128xf32>
    %add3A_50 = vector.broadcast %get3A_49 : vector<1x128xf32> to vector<2000x128xf32>
    %add3A_51 = arith.addf %dot_general3A_46, %add3A_50 : vector<2000x128xf32>
    %gt3A = arith.constant -1.000000e+29 : f32
    %gt3A_52 = vector.broadcast %gt3A : f32 to vector<2000x1xf32>
    %gt3A_53 = arith.cmpf ogt, %broadcast_in_dim3A, %gt3A_52 : vector<2000x1xf32>
    %jit3A = arith.constant 0.000000e+00 : f32
    %broadcast_in_dim3A_54 = vector.shape_cast %gt3A_53 : vector<2000x1xi1> to vector<2000x1xi1>
    %broadcast_in_dim3A_55 = vector.broadcast %broadcast_in_dim3A_54 : vector<2000x1xi1> to vector<2000x128xi1>
    %broadcast_in_dim3A_56 = vector.broadcast %jit3A : f32 to vector<2000x128xf32>
    %select_n3A = arith.select %broadcast_in_dim3A_55, %add3A_51, %broadcast_in_dim3A_56 : vector<2000x128xi1>, vector<2000x128xf32>
    %swap3A = arith.constant 0 : index
    %swap3A_57 = arith.constant 0 : index
    %swap3A_58 = vector.load %arg10[%swap3A, %swap3A_57] : memref<2000x128xf32, #tpu.memory_space<vmem>>, vector<2000x128xf32>
    tpu.vector_store %arg10[%swap3A, %swap3A_57], %select_n3A {strides = array<i32>} : memref<2000x128xf32, #tpu.memory_space<vmem>>, vector<2000x128xf32>,
    return
  }
  func.func @transform_0(%arg0: i32) -> (i32, i32) {
    %c0_i32 = arith.constant 0 : i32
    %c0_i32_0 = arith.constant 0 : i32
    return %arg0, %c0_i32 : i32, i32
  }
  func.func @transform_1(%arg0: i32) -> (i32, i32) {
    %c0_i32 = arith.constant 0 : i32
    %c0_i32_0 = arith.constant 0 : i32
    return %arg0, %c0_i32 : i32, i32
  }
  func.func @transform_2(%arg0: i32) -> (i32, i32) {
    %c0_i32 = arith.constant 0 : i32
    %c0_i32_0 = arith.constant 0 : i32
    %c0_i32_1 = arith.constant 0 : i32
    return %c0_i32, %c0_i32_0 : i32, i32
  }
  func.func @transform_3(%arg0: i32) -> (i32, i32) {
    %c0_i32 = arith.constant 0 : i32
    %c0_i32_0 = arith.constant 0 : i32
    %c0_i32_1 = arith.constant 0 : i32
    return %c0_i32, %c0_i32_0 : i32, i32
  }
  func.func @transform_4(%arg0: i32) -> (i32, i32) {
    %c0_i32 = arith.constant 0 : i32
    %c0_i32_0 = arith.constant 0 : i32
    %c0_i32_1 = arith.constant 0 : i32
    return %c0_i32, %c0_i32_0 : i32, i32
  }
  func.func @transform_5(%arg0: i32) -> (i32, i32) {
    %c0_i32 = arith.constant 0 : i32
    %c0_i32_0 = arith.constant 0 : i32
    %c0_i32_1 = arith.constant 0 : i32
    return %c0_i32, %c0_i32_0 : i32, i32
  }
  func.func @transform_6(%arg0: i32) -> (i32, i32) {
    %c0_i32 = arith.constant 0 : i32
    %c0_i32_0 = arith.constant 0 : i32
    %c0_i32_1 = arith.constant 0 : i32
    return %c0_i32, %c0_i32_0 : i32, i32
  }
  func.func @transform_7(%arg0: i32) -> (i32, i32) {
    %c0_i32 = arith.constant 0 : i32
    %c0_i32_0 = arith.constant 0 : i32
    %c0_i32_1 = arith.constant 0 : i32
    return %c0_i32, %c0_i32_0 : i32, i32
  }
  func.func @transform_8(%arg0: i32) -> (i32, i32) {
    %c0_i32 = arith.constant 0 : i32
    %c0_i32_0 = arith.constant 0 : i32
    %c0_i32_1 = arith.constant 0 : i32
    return %c0_i32, %c0_i32_0 : i32, i32
  }
  func.func @transform_9(%arg0: i32) -> (i32, i32) {
    %c0_i32 = arith.constant 0 : i32
    %c0_i32_0 = arith.constant 0 : i32
    return %arg0, %c0_i32 : i32, i32
  }
}

</mosaic_0001>

<sc_bundles>
// kernel: kernel.4.cloned.1.call-start
scs
__scs_entry_jumppad:
0x0: {  	(pc) =	sbr.rel $0x88, $3  }
0x1: {  	(tag) =	ssettag $0x0;
	lr =	simm.s32 $0x1  }
0x2: {  	[smem:$0x3F98] =	sst lr;
	_ =	strace $0xD0000000  }
0x3: {  	_ = 	snop  }
0x4: {  	_ = 	snop  }
0x5: {  	_ = 	snop  }
0x6: {  	_ = 	snop  }
0x7: {  	_ = 	snop  }
__scs_overlays_trampoline_lowered:
0x8: {  	[smem:$0x3FA7] =	sst s0  }
0x9: {  	[smem:$0x3FA8] =	sst s1  }
0xa: {  	[smem:$0x3FA9] =	sst s2  }
0xb: {  	[smem:$0x3FAA] =	sst s3  }
0xc: {  	[smem:$0x3FAB] =	sst s4  }
0xd: {  	[smem:$0x3FAC] =	sst s5  }
0xe: {  	[smem:$0x3FAD] =	sst s6  }
0xf: {  	[smem:$0x3FAE] =	sst s7  }
0x10: {  	[smem:$0x3FAF] =	sst s8  }
0x11: {  	[smem:$0x3FB0] =	sst s9;
	s0 =	simm.s32 @!p0 $0x0  }
0x12: {  	s1 =	sld [smem:$0x3F96];
	s0 =	simm.s32 @p0 $0x1  }
0x13: {  	[smem:$0x3FB1] =	sst s0;
	s0 =	simm.s32 @!p1 $0x0  }
0x14: {  	s2 =	sld [smem:$0x3F95];
	s0 =	simm.s32 @p1 $0x1  }
0x15: {  	[smem:$0x3FB2] =	sst s0;
	s0 =	simm.s32 @!p2 $0x0  }
0x16: {  	s3 =	sld [smem:$0x3FDB];
	s0 =	simm.s32 @p2 $0x1  }
0x17: {  	s4 =	simm.s32 $0x1BF5;
	[smem:$0x3FB4] =	sst s0  }
0x18: {  	s0 =	sld [smem:$0x3F97];
	_ =	swait.ge [sflag:s4], $0x0  }
0x19: {  	s7 =	sld [smem:$0x3F98]  }
0x1a: {  	s8 =	sadd.s32 $0xFFFFE003, lr  }
0x1b: {  	s9 =	sadd.s32 $0xFFFFFEF7, lr;
	s5 =	simm.s32 $0xFFFFFFFF;
	p2 =	slt.u32 s8, $0xFFFFF086  }
0x1c: {  	p1 =	slt.u32 s9, $0xF7A;
	s5 =	simm.s32 @!p2 $0x0  }
0x1d: {  	s5 =	simm.s32 @p1 $0x1;
	p0 =	seq.s32 s7, s2  }
0x1e: {  	s7 =	smul.u32 @!p0 $0xF7A, s2;
	p2 =	seq.s32 @!p0 s5, $0x0  }
0x1f: {  	s9 =	smul.u32 $0xF7A, s1;
	s8 =	simm.s32 @!p0 $0x1BF5;
	p2 =	por !p2, p0  }
0x20: {  	[sflag:s8] =	ssyncset.s32 @!p0 $0xFFFFF086;
	s6 =	sadd.s32 @!p0 s3, s7;
	s7 =	simm.s32 @!p0 $0x108  }
0x21: {  	s3 =	sadd.s32 s3, s9;
	s6 =	sadd.s32 @!p0 $0x88, s6;
	s7 =	simm.s32 @p2 $0x1082  }
0x22: {  	[simem:s7], [sflag:s8] =	dma.local @!p0 [hbm:s6], $0xF7A  }
0x23: {  	s9 =	sor.u32 $0xD0000000, s2;
	s6 =	simm.s32 $0x108;
	_ =	swait.ge @!p0 [sflag:s8], $0x0  }
0x24: {  	s3 =	sadd.s32 $0x88, s3;
	s6 =	simm.s32 @!p1 $0x1082;
	[sflag:s4] =	ssyncset.s32 $0xFFFFF086  }
0x25: {  	[simem:s6], [sflag:s4] =	dma.local [hbm:s3], $0xF7A  }
0x26: {  	[smem:$0x3F98] =	sst s1;
	(tag) =	ssettag s2;
	_ =	strace s9  }
0x27: {  	s1 =	sld [smem:$0x3FA8]  }
0x28: {  	s2 =	sld [smem:$0x3FA9]  }
0x29: {  	s4 =	sld [smem:$0x3FAB]  }
0x2a: {  	p0 =	seq.s32 s5, $0x0;
	s5 =	sld [smem:$0x3FAC]  }
0x2b: {  	s6 =	sld [smem:$0x3FAD]  }
0x2c: {  	s7 =	sld [smem:$0x3FAE]  }
0x2d: {  	s3 =	simm.s32 $0x108;
	s8 =	sld [smem:$0x3FAF]  }
0x2e: {  	s3 =	simm.s32 @!p0 $0x1082;
	s9 =	sld [smem:$0x3FB0]  }
0x2f: {  	lr =	sadd.s32 s0, s3;
	s0 =	sld [smem:$0x3FA7]  }
0x30: {  	s3 =	sld [smem:$0x3FAA]  }
0x31: {  	[smem:$0x3FB3] =	sst s10  }
0x32: {  	s10 =	sld [smem:$0x3FB1];
	_ =	sdelay $0x3  }
0x33: {  	p0 =	seq.s32 s10, $0x1;
	s10 =	sld [smem:$0x3FB3];
	_ =	sdelay $0x3  }
0x34: {  	[smem:$0x3FB3] =	sst s10  }
0x35: {  	s10 =	sld [smem:$0x3FB2];
	_ =	sdelay $0x3  }
0x36: {  	p1 =	seq.s32 s10, $0x1;
	s10 =	sld [smem:$0x3FB3];
	_ =	sdelay $0x3  }
0x37: {  	[smem:$0x3FB3] =	sst s10  }
0x38: {  	s10 =	sld [smem:$0x3FB4]  }
0x39: {  	_ = 	snop;
	(pc) =	sbr.ind lr, $3  }
0x3a: {  	_ = 	snop  }
0x3b: {  	_ = 	snop  }
0x3c: {  	p2 =	seq.s32 s10, $0x1;
	s10 =	sld [smem:$0x3FB3]  }
0x3d: {  	_ =	shalt  }
0x3e: {  	_ =	shalt  }
0x3f: {  	_ =	shalt  }
0x40: {  	_ =	shalt  }
0x41: {  	_ =	shalt  }
0x42: {  	_ =	shalt  }
0x43: {  	_ =	shalt  }
0x44: {  	_ =	shalt  }
0x45: {  	_ =	shalt  }
0x46: {  	_ =	shalt  }
0x47: {  	_ =	shalt  }
0x48: {  	_ =	shalt  }
0x49: {  	_ =	shalt  }
0x4a: {  	_ =	shalt  }
0x4b: {  	_ =	shalt  }
0x4c: {  	_ =	shalt  }
0x4d: {  	_ =	shalt  }
0x4e: {  	_ =	shalt  }
0x4f: {  	_ =	shalt  }
0x50: {  	_ =	shalt  }
0x51: {  	_ =	shalt  }
0x52: {  	_ =	shalt  }
0x53: {  	_ =	shalt  }
0x54: {  	_ =	shalt  }
0x55: {  	_ =	shalt  }
0x56: {  	_ =	shalt  }
0x57: {  	_ =	shalt  }
0x58: {  	_ =	shalt  }
0x59: {  	_ =	shalt  }
0x5a: {  	_ =	shalt  }
0x5b: {  	_ =	shalt  }
0x5c: {  	_ =	shalt  }
0x5d: {  	_ =	shalt  }
0x5e: {  	_ =	shalt  }
0x5f: {  	_ =	shalt  }
0x60: {  	_ =	shalt  }
0x61: {  	_ =	shalt  }
0x62: {  	_ =	shalt  }
0x63: {  	_ =	shalt  }
0x64: {  	_ =	shalt  }
0x65: {  	_ =	shalt  }
0x66: {  	_ =	shalt  }
0x67: {  	_ =	shalt  }
0x68: {  	_ =	shalt  }
0x69: {  	_ =	shalt  }
0x6a: {  	_ =	shalt  }
0x6b: {  	_ =	shalt  }
0x6c: {  	_ =	shalt  }
0x6d: {  	_ =	shalt  }
0x6e: {  	_ =	shalt  }
0x6f: {  	_ =	shalt  }
0x70: {  	_ =	shalt  }
0x71: {  	_ =	shalt  }
0x72: {  	_ =	shalt  }
0x73: {  	_ =	shalt  }
0x74: {  	_ =	shalt  }
0x75: {  	_ =	shalt  }
0x76: {  	_ =	shalt  }
0x77: {  	_ =	shalt  }
0x78: {  	_ =	shalt  }
0x79: {  	_ =	shalt  }
0x7a: {  	_ =	shalt  }
0x7b: {  	_ =	shalt  }
0x7c: {  	_ =	shalt  }
0x7d: {  	_ =	shalt  }
0x7e: {  	_ =	shalt  }
0x7f: {  	_ =	shalt  }
0x80: {  	_ =	shalt  }
0x81: {  	_ =	shalt  }
0x82: {  	_ =	shalt  }
0x83: {  	_ =	shalt  }
0x84: {  	_ =	shalt  }
0x85: {  	_ =	shalt  }
0x86: {  	_ =	shalt  }
0x87: {  	_ =	shalt  }
.Lfunc_end0:
.L_simem_size_0:
called_computation_lowered:
.L_overlay_start_0:
0x88: {  	s2 =	sld [smem:$0x3FD9]  }
0x89: {  	s3 =	sld [smem:$0x3FFE];
	_ =	sdelay $0x1  }
0x8a: {  	s1 =	srdreg.scid  }
0x8b: {  	s0 =	sand.u32 $0x1, s1  }
0x8c: {  	s14 =	sshll.u32 s0, $0xA;
	s2 =	sadd.s32 s3, s2  }
0x8d: {  	s2 =	sadd.s32 s2, s14  }
0x8e: {  	[smem:$0x3FBF] =	sst s2  }
0x8f: {  	_ = 	snop  }
0x90: {  	s2 =	sld [smem:$0x3FD0];
	_ =	sdelay $0x2  }
0x91: {  	s15 =	simm.s32 $0xA;
	s4 =	simm.s32 $0x10  }
0x92: {  	[smem:s4], [sflag:s15] =	dma.local [hbm:s2], $0x1  }
0x93: {  	_ =	swait.eq [sflag:s15], $0x1  }
0x94: {  	[sflag:s15] =	ssyncset.done $0x0  }
0x95: {  	[sflag:s15] =	ssyncadd.s32 $0xFFFFFFFF  }
0x96: {  	s16 =	sld [smem:$0x11];
	(tm) =	ssettm $0x1  }
0x97: {  	s17 =	sld [smem:$0x3FFB];
	_ =	sdelay $0x3  }
0x98: {  	_ =	strace s17  }
0x99: {  	s3 =	sld [smem:$0x3FFC];
	_ =	sdelay $0x3  }
0x9a: {  	_ =	strace s3  }
0x9b: {  	s3 =	sld [smem:$0x3FFD];
	_ =	sdelay $0x3  }
0x9c: {  	_ =	strace s3  }
0x9d: {  	_ =	strace $0x8FFFFFFF  }
0x9e: {  	s18 =	sld [smem:$0x3FDB];
	_ =	sdelay $0x1  }
0x9f: {  	s19 =	simm.s32 $_scs_section_size  }
0xa0: {  	s5 =	simm.s32 $_size__tile_overlayer_lowered;
	s6 =	simm.s32 $_tile_overlayer_lowered  }
0xa1: {  	s22 =	simm.s32 $0x1BFF;
	s21 =	sshll.u32 s6, $0x1;
	s3 =	sadd.s32 s19, s18  }
0xa2: {  	s7 =	simm.s32 $0x0;
	s20 =	sshll.u32 s5, $0x1;
	s5 =	sadd.s32 s21, s3  }
0xa3: {  	[timem:s7], [sflag:s22] =	dma.local [hbm:s5], s20  }
0xa4: {  	_ =	swait.ge [sflag:s22], s20  }
0xa5: {  	s4 =	ssub.s32 $0x0, s20;
	[sflag:s22] =	ssyncset.done $0x0  }
0xa6: {  	[sflag:s22] =	ssyncadd.s32 s4;
	_ =	sdelay $0x1  }
0xa7: {  	s23 =	simm.s32 $0x1B8B  }
0xa8: {  	_ =	swait.ge [sflag:s23], $0x1  }
0xa9: {  	[sflag:s23] =	ssyncset.done $0x0  }
0xaa: {  	s25 =	simm.s32 $0x1B8E;
	s24 =	sld [smem:$0x3FFE];
	[sflag:s23] =	ssyncadd.s32 $0xFFFFFFFF  }
0xab: {  	s26 =	simm.s32 $execute0_lowered;
	[smem:$0x3FD2] =	sst s25  }
0xac: {  	s5 =	sshll.u32 s26, $0x1;
	_ =	strace $0x80000046;
	[dreg:$0x1] =	wrdreg $0xFFFFFFFF  }
0xad: {  	s28 =	simm.s32 $_size_execute0_lowered;
	s3 =	sadd.s32 s3, s5;
	[dreg:$0x0] =	wrdreg $0x0  }
0xae: {  	s5 =	sshll.u32 s28, $0x1;
	[dreg:$0x2] =	wrdreg s3  }
0xaf: {  	[dreg:$0x3] =	wrdreg s5  }
0xb0: {  	[dreg:$0x4] =	wrdreg $0xC0  }
0xb1: {  	_ =	task [dreg:s7], $0x5FFFF  }
0xb2: {  	[dreg:$0x1] =	wrdreg $0xFFFFFFFF  }
0xb3: {  	[dreg:$0x0] =	wrdreg $0x60  }
0xb4: {  	[dreg:$0x2] =	wrdreg s24  }
0xb5: {  	[dreg:$0x3] =	wrdreg s16  }
0xb6: {  	[dreg:$0x4] =	wrdreg $0x193800  }
0xb7: {  	[dreg:$0x5] =	wrdreg $0x196000  }
0xb8: {  	[dreg:$0x6] =	wrdreg $0x9  }
0xb9: {  	_ =	task.clear_ibuf [dreg:s7], $0x7FFFF;
	_ =	strace $0x90000046  }
0xba: {  	s29 =	simm.s32 $0x9;
	_ =	strace $0x80000048  }
0xbb: {  	_ =	swait.ge [sflag:s29], $0x1  }
0xbc: {  	[sflag:s29] =	ssyncadd.s32 $0xFFFFFFFF  }
0xbd: {  	_ =	strace $0x90000048  }
0xbe: {  	_ =	sfence  }
0xbf: {  	s30 =	sld [smem:$0x0];
	_ =	sdelay $0x2  }
0xc0: {  	s31 =	sshll.u32 s1, $0xD;
	s1 =	sshrl.u32 s1, $0x2  }
0xc1: {  	s3 =	sand.u32 $0x4000, s31;
	s1 =	sadd.s32 s1, s30  }
0xc2: {  	s0 =	sor.u32 s3, s0;
	s1 =	sshll.u32 s1, $0x11  }
0xc3: {  	s0 =	sor.u32 s1, s0  }
0xc4: {  	s0 =	sadd.s32 $0x8F2B, s0  }
0xc5: {  	[sflag:s0] =	ssyncadd.remote.s32 $0x1  }
0xc6: {  	_ =	sfence.sel $0xFFFF  }
0xc7: {  	[dreg:$0x0] =	wrdreg $0xFFFFFFFF;
	(pc) =	sbr.abs _section_cstart, $3  }
0xc8: {  	[dreg:$0x1] =	wrdreg $0xFFFFFFFF  }
0xc9: {  	_ =	task.clear_ibuf [dreg:s7], $0x2FFFF;
	_ =	strace $0x9FFFFFFF  }
0xca: {  	(tm) =	ssettm $0x7FFFFFFF  }
0xcb: {  	_ =	shalt  }
tec
execute0_lowered:
.L_overlay_start_1:
0x0: {  	(tag) =	ssettag $0x1  }
0x1: {  	s7 =	rddreg [dreg:$0x0]  }
0x2: {  	s2 =	rddreg [dreg:$0x1]  }
0x3: {  	s3 =	rddreg [dreg:$0x2]  }
0x4: {  	s4 =	rddreg [dreg:$0x3];
	s0 =	stileid.u32  }
0x5: {  	s5 =	srdreg.scid;
	s1 =	rddreg [dreg:$0x4]  }
0x6: {  	s12 =	simm.s32 $0x14000;
	s13 =	simm.s32 $0x14280;
	s16 =	simm.s32 $0x16C00  }
0x7: {  	s17 =	simm.s32 $0x0;
	s15 =	smul.u32 $0x280, s0;
	s11 =	sand.u32 $0x1, s5  }
0x8: {  	s5 =	simm.s32 $0x0;
	s31 =	sshll.u32 s0, $0x4;
	s8 =	ssub.s32 $0x2, s11  }
0x9: {  	[smem:$0x7FF] =	sst s5;
	s14 =	sor.u32 s0, s11;
	p0 =	sne.s32 s11, $0x0  }
.Ltmp0:
0xa: {  	s11 =	simm.s32 $0x1;
	s6 =	smin.u32 s15, $0x2490;
	(pc) =	sbr.rel .LBB2_1-.Ltmp0, $4  }
0xb: {  	v5 =	vlaneseq.u32;
	s10 =	sshrl.u32 s8, $0x1;
	_ =	strace $0x80000047;
	p1 =	sne.s32 s14, $0x0  }
0xc: {  	v14 =	vmul.u32 $0x80, v5;
	s14 =	simm.s32 $0x16B00;
	s9 =	sshll.u32 s6, $0x4;
	s10 =	ssub.s32 s8, s10  }
0xd: {  	v22 =	vmov s15;
	s8 =	sadd.s32 s15, s3;
	s15 =	simm.s32 $0x14300;
	s7 =	sadd.s32 s9, s7  }
0xe: {  	v23 =	vimm.s32 $0x0;
	[tilespmem:$0x1FFF0] =	vst v14;
	s9 =	sadd.s32 s31, s4;
	s10 =	smax.u32 s10, $0x1;
	s7 =	sadd.s32 $0x1C00, s7  }
.LBB2_6:
0xf: {  	v13 =	vor.u32 v45, v13  }
0x10: {  	v10 =	vor.u32 v10, v13  }
0x11: {  	v9 =	vor.u32 v9, v10  }
0x12: {  	v8 =	vor.u32 v8, v9  }
0x13: {  	v7 =	vor.u32 v7, v8  }
0x14: {  	v6 =	vor.u32 v6, v7  }
0x15: {  	v5 =	vor.u32 v5, v6  }
0x16: {  	v2 =	vor.u32 v2, v5  }
0x17: {  	v1 =	vor.u32 v1, v2  }
0x18: {  	v1 =	vor.u32 v3, v1  }
0x19: {  	v1 =	vor.u32 v63, v1  }
0x1a: {  	v1 =	vor.u32 v62, v1  }
0x1b: {  	v1 =	vor.u32 v61, v1  }
0x1c: {  	v1 =	vor.u32 v60, v1  }
0x1d: {  	v16 =	vld.idx.msk [tilespmem:v47+s5+$0x0], $0xffff;
	v17 =	vor.u32 $0x8, v33;
	v1 =	vor.u32 v59, v1  }
0x1e: {  	v18 =	vld.idx.msk [tilespmem:v48+s5+$0x0], $0xffff;
	v19 =	vor.u32 $0x9, v33;
	v1 =	vor.u32 v58, v1  }
0x1f: {  	v20 =	vld.idx.msk [tilespmem:v37+s5+$0x0], $0xffff;
	v21 =	vor.u32 $0xA, v33;
	v1 =	vor.u32 v57, v1  }
0x20: {  	v0 =	vor.u32 v0, v12;
	v12 =	vld.idx.msk [tilespmem:v14+s5+$0x0], $0xffff;
	v14 =	vor.u32 $0xD, v33;
	v1 =	vor.u32 v56, v1  }
0x21: {  	v37 =	vor.u32 $0xC, v33;
	v10 =	vld.idx.msk [tilespmem:v15+s5+$0x0], $0xffff;
	v1 =	vor.u32 v55, v1  }
0x22: {  	v13 =	vor.u32 $0xB, v33;
	v0 =	vor.u32 v11, v0;
	v45 =	vld.idx.msk [tilespmem:v17+s5+$0x0], $0xffff;
	v1 =	vor.u32 v54, v1  }
0x23: {  	v0 =	vor.u32 v16, v0;
	v47 =	vld.idx.msk [tilespmem:v19+s5+$0x0], $0xffff;
	v1 =	vor.u32 v53, v1  }
0x24: {  	v15 =	vor.u32 $0xE, v33;
	v7 =	vld.idx.msk [tilespmem:v21+s5+$0x0], $0xffff;
	v0 =	vor.u32 v18, v0;
	v1 =	vor.u32 v52, v1  }
0x25: {  	v48 =	vor.u32 $0xF, v33;
	v19 =	vld.idx.msk [tilespmem:v14+s5+$0x0], $0xffff;
	v0 =	vor.u32 v20, v0;
	v1 =	vor.u32 v51, v1  }
0x26: {  	v5 =	vld.idx.msk [tilespmem:v37+s5+$0x0], $0xffff;
	v37 =	vor.u32 $0x12, v33;
	v0 =	vor.u32 v12, v0;
	v1 =	vor.u32 v50, v1  }
0x27: {  	v6 =	vld.idx.msk [tilespmem:v13+s5+$0x0], $0xffff;
	v12 =	vor.u32 $0x10, v33;
	v0 =	vor.u32 v10, v0;
	v1 =	vor.u32 v49, v1  }
0x28: {  	v18 =	vor.u32 $0x11, v33;
	v13 =	vld [tilespmem:$0x1FFD0];
	v0 =	vor.u32 v45, v0;
	v1 =	vor.u32 v46, v1  }
0x29: {  	v3 =	vld.idx.msk [tilespmem:v15+s5+$0x0], $0xffff;
	v45 =	vor.u32 $0x13, v33;
	v0 =	vor.u32 v47, v0;
	v1 =	vor.u32 v44, v1  }
0x2a: {  	v0 =	vor.u32 v7, v0;
	v7 =	vld.idx.msk [tilespmem:v48+s5+$0x0], $0xffff;
	v1 =	vor.u32 v43, v1  }
0x2b: {  	v47 =	vor.u32 $0x14, v33;
	v9 =	vld.idx.msk [tilespmem:v37+s5+$0x0], $0xffff;
	v1 =	vor.u32 v42, v1  }
0x2c: {  	v48 =	vor.u32 $0x16, v33;
	v0 =	vor.u32 v6, v0;
	v6 =	vld.idx.msk [tilespmem:v12+s5+$0x0], $0xffff;
	v1 =	vor.u32 v41, v1  }
0x2d: {  	v12 =	vor.u32 $0x15, v33;
	v0 =	vor.u32 v5, v0;
	v5 =	vld.idx.msk [tilespmem:v18+s5+$0x0], $0xffff;
	v1 =	vor.u32 v40, v1  }
0x2e: {  	v60 =	vor.u32 $0x17, v33;
	v8 =	vld.idx.msk [tilespmem:v45+s5+$0x0], $0xffff;
	v1 =	vor.u32 v39, v1  }
0x2f: {  	v58 =	vld [tilespmem:$0x1FEF0];
	v1 =	vor.u32 v38, v1  }
0x30: {  	v61 =	vor.u32 $0x1C, v33;
	v0 =	vor.u32 v19, v0;
	v11 =	vld.idx.msk [tilespmem:v47+s5+$0x0], $0xffff;
	v1 =	vor.u32 v36, v1  }
0x31: {  	v0 =	vor.u32 v3, v0;
	v10 =	vld.idx.msk [tilespmem:v48+s5+$0x0], $0xffff;
	v1 =	vor.u32 v35, v1  }
0x32: {  	v3 =	vor.u32 $0x18, v33;
	v0 =	vor.u32 v7, v0;
	v12 =	vld.idx.msk [tilespmem:v12+s5+$0x0], $0xffff;
	v1 =	vor.u32 v34, v1  }
0x33: {  	v62 =	vor.u32 $0x1D, v33;
	v0 =	vor.u32 v6, v0;
	v2 =	vld.idx.msk [tilespmem:v60+s5+$0x0], $0xffff;
	v1 =	vor.u32 v32, v1  }
0x34: {  	v0 =	vor.u32 v5, v0;
	v1 =	vor.u32 v13, v1;
	v13 =	vld [tilespmem:$0x1FFC0]  }
0x35: {  	v7 =	vor.u32 $0x19, v33;
	v0 =	vor.u32 v9, v0;
	v9 =	vld.idx.msk [tilespmem:v61+s5+$0x0], $0xffff  }
0x36: {  	v63 =	vor.u32 $0x1E, v33;
	v53 =	vld [tilespmem:$0x1FF30]  }
0x37: {  	v6 =	vor.u32 $0x1A, v33;
	v3 =	vld.idx.msk [tilespmem:v3+s5+$0x0], $0xffff  }
0x38: {  	v5 =	vor.u32 $0x1B, v33;
	v0 =	vor.u32 v8, v0;
	v8 =	vld.idx.msk [tilespmem:v62+s5+$0x0], $0xffff  }
0x39: {  	v1 =	vor.u32 v13, v1;
	v13 =	vld [tilespmem:$0x1FFB0]  }
0x3a: {  	v47 =	vor.u32 $0x3A, v33;
	v7 =	vld.idx.msk [tilespmem:v7+s5+$0x0], $0xffff  }
0x3b: {  	v16 =	vor.u32 $0x20, v33;
	v0 =	vor.u32 v11, v0;
	v11 =	vld.idx.msk [tilespmem:v63+s5+$0x0], $0xffff  }
0x3c: {  	v17 =	vor.u32 $0x21, v33;
	v6 =	vld.idx.msk [tilespmem:v6+s5+$0x0], $0xffff  }
0x3d: {  	v0 =	vor.u32 v12, v0;
	v12 =	vor.u32 $0x1F, v33;
	v5 =	vld.idx.msk [tilespmem:v5+s5+$0x0], $0xffff  }
0x3e: {  	v0 =	vor.u32 v10, v0;
	v1 =	vor.u32 v13, v1;
	v13 =	vld [tilespmem:$0x1FFA0]  }
0x3f: {  	v18 =	vor.u32 $0x26, v33;
	v51 =	vld.idx.msk [tilespmem:v47+s5+$0x0], $0xffff;
	v0 =	vor.u32 v2, v0  }
0x40: {  	v10 =	vld.idx.msk [tilespmem:v16+s5+$0x0], $0xffff;
	v0 =	vor.u32 v3, v0;
	v3 =	vor.u32 $0x22, v33  }
0x41: {  	v19 =	vor.u32 $0x27, v33;
	v2 =	vld.idx.msk [tilespmem:v17+s5+$0x0], $0xffff;
	v0 =	vor.u32 v7, v0  }
0x42: {  	v7 =	vor.u32 $0x23, v33;
	v12 =	vld.idx.msk [tilespmem:v12+s5+$0x0], $0xffff;
	v0 =	vor.u32 v6, v0  }
0x43: {  	v0 =	vor.u32 v5, v0;
	v1 =	vor.u32 v13, v1;
	v13 =	vld [tilespmem:$0x1FF90]  }
0x44: {  	v6 =	vor.u32 $0x24, v33;
	v0 =	vor.u32 v9, v0;
	v9 =	vld.idx.msk [tilespmem:v18+s5+$0x0], $0xffff  }
0x45: {  	v5 =	vor.u32 $0x25, v33;
	v3 =	vld.idx.msk [tilespmem:v3+s5+$0x0], $0xffff  }
0x46: {  	v37 =	vor.u32 $0x28, v33;
	v0 =	vor.u32 v8, v0;
	v8 =	vld.idx.msk [tilespmem:v19+s5+$0x0], $0xffff  }
0x47: {  	v40 =	vor.u32 $0x2A, v33;
	v7 =	vld.idx.msk [tilespmem:v7+s5+$0x0], $0xffff  }
0x48: {  	v0 =	vor.u32 v11, v0;
	v1 =	vor.u32 v13, v1;
	v13 =	vld [tilespmem:$0x1FF80]  }
0x49: {  	v41 =	vor.u32 $0x2B, v33;
	v6 =	vld.idx.msk [tilespmem:v6+s5+$0x0], $0xffff;
	v0 =	vor.u32 v12, v0  }
0x4a: {  	v12 =	vor.u32 $0x29, v33;
	v5 =	vld.idx.msk [tilespmem:v5+s5+$0x0], $0xffff;
	v0 =	vor.u32 v10, v0  }
0x4b: {  	v42 =	vor.u32 $0x30, v33;
	v11 =	vld.idx.msk [tilespmem:v37+s5+$0x0], $0xffff;
	v0 =	vor.u32 v2, v0  }
0x4c: {  	v10 =	vld.idx.msk [tilespmem:v40+s5+$0x0], $0xffff;
	v0 =	vor.u32 v3, v0;
	v3 =	vor.u32 $0x2C, v33  }
0x4d: {  	v0 =	vor.u32 v7, v0;
	v1 =	vor.u32 v13, v1;
	v13 =	vld [tilespmem:$0x1FF70]  }
0x4e: {  	v2 =	vld.idx.msk [tilespmem:v41+s5+$0x0], $0xffff;
	v7 =	vor.u32 $0x2D, v33;
	v0 =	vor.u32 v6, v0  }
0x4f: {  	v12 =	vld.idx.msk [tilespmem:v12+s5+$0x0], $0xffff;
	v6 =	vor.u32 $0x2E, v33;
	v0 =	vor.u32 v5, v0  }
0x50: {  	v5 =	vor.u32 $0x2F, v33;
	v0 =	vor.u32 v9, v0;
	v9 =	vld.idx.msk [tilespmem:v42+s5+$0x0], $0xffff  }
0x51: {  	v43 =	vor.u32 $0x31, v33;
	v3 =	vld.idx.msk [tilespmem:v3+s5+$0x0], $0xffff  }
0x52: {  	v44 =	vor.u32 $0x32, v33;
	v0 =	vor.u32 v8, v0;
	v1 =	vor.u32 v13, v1;
	v13 =	vld [tilespmem:$0x1FF60]  }
0x53: {  	v45 =	vor.u32 $0x34, v33;
	v7 =	vld.idx.msk [tilespmem:v7+s5+$0x0], $0xffff;
	v0 =	vor.u32 v11, v0  }
0x54: {  	v6 =	vld.idx.msk [tilespmem:v6+s5+$0x0], $0xffff;
	v0 =	vor.u32 v12, v0;
	v12 =	vor.u32 $0x33, v33  }
0x55: {  	v46 =	vor.u32 $0x35, v33;
	v5 =	vld.idx.msk [tilespmem:v5+s5+$0x0], $0xffff;
	v0 =	vor.u32 v10, v0  }
0x56: {  	v8 =	vld.idx.msk [tilespmem:v43+s5+$0x0], $0xffff;
	v0 =	vor.u32 v2, v0  }
0x57: {  	v11 =	vld.idx.msk [tilespmem:v44+s5+$0x0], $0xffff;
	v0 =	vor.u32 v3, v0;
	v3 =	vor.u32 $0x36, v33;
	v1 =	vor.u32 v13, v1  }
0x58: {  	v10 =	vld.idx.msk [tilespmem:v45+s5+$0x0], $0xffff;
	v0 =	vor.u32 v7, v0;
	v7 =	vor.u32 $0x37, v33;
	v1 =	vor.u32 v31, v1  }
0x59: {  	v12 =	vld.idx.msk [tilespmem:v12+s5+$0x0], $0xffff;
	v0 =	vor.u32 v6, v0;
	v6 =	vor.u32 $0x38, v33;
	v1 =	vor.u32 v30, v1  }
0x5a: {  	v2 =	vld.idx.msk [tilespmem:v46+s5+$0x0], $0xffff;
	v0 =	vor.u32 v5, v0;
	v5 =	vor.u32 $0x39, v33;
	v1 =	vor.u32 v29, v1  }
0x5b: {  	v0 =	vor.u32 v9, v0;
	v13 =	vld [tilespmem:$0x1FF50];
	v1 =	vor.u32 v28, v1  }
0x5c: {  	v48 =	vor.u32 $0x3B, v33;
	v3 =	vld.idx.msk [tilespmem:v3+s5+$0x0], $0xffff;
	v0 =	vor.u32 v8, v0;
	v1 =	vor.u32 v27, v1  }
0x5d: {  	v7 =	vld.idx.msk [tilespmem:v7+s5+$0x0], $0xffff;
	v0 =	vor.u32 v11, v0;
	v1 =	vor.u32 v26, v1  }
0x5e: {  	v6 =	vld.idx.msk [tilespmem:v6+s5+$0x0], $0xffff;
	v0 =	vor.u32 v12, v0;
	v1 =	vor.u32 v25, v1  }
0x5f: {  	v5 =	vld.idx.msk [tilespmem:v5+s5+$0x0], $0xffff;
	v0 =	vor.u32 v10, v0;
	v1 =	vor.u32 v24, v1  }
0x60: {  	v49 =	vor.u32 $0x3C, v33;
	v0 =	vor.u32 v2, v0;
	v1 =	vor.u32 v13, v1;
	v13 =	vld [tilespmem:$0x1FF40]  }
0x61: {  	v0 =	vor.u32 v3, v0;
	v3 =	vld.idx.msk [tilespmem:v48+s5+$0x0], $0xffff  }
0x62: {  	v54 =	vld [tilespmem:$0x1FF20];
	v12 =	vor.u32 $0x3D, v33;
	v0 =	vor.u32 v7, v0  }
0x63: {  	v55 =	vld [tilespmem:$0x1FF10];
	v0 =	vor.u32 v6, v0  }
0x64: {  	v56 =	vld [tilespmem:$0x1FF00];
	v52 =	vor.u32 $0x3F, v33;
	v0 =	vor.u32 v5, v0  }
0x65: {  	v50 =	vor.u32 $0x3E, v33;
	v7 =	vld.idx.msk [tilespmem:v49+s5+$0x0], $0xffff;
	v0 =	vor.u32 v51, v0;
	v1 =	vor.u32 v13, v1  }
0x66: {  	v0 =	vor.u32 v3, v0;
	v3 =	vld [tilespmem:$0x1FEE0];
	v1 =	vor.u32 v53, v1  }
0x67: {  	v6 =	vld.idx.msk [tilespmem:v12+s5+$0x0], $0xffff;
	v1 =	vor.u32 v54, v1  }
0x68: {  	v1 =	vor.u32 v55, v1  }
0x69: {  	v57 =	vld.idx.msk [tilespmem:v52+s5+$0x0], $0xffff;
	v1 =	vor.u32 v56, v1  }
0x6a: {  	v5 =	vld.idx.msk [tilespmem:v50+s5+$0x0], $0xffff;
	v1 =	vor.u32 v58, v1  }
0x6b: {  	v0 =	vor.u32 v7, v0;
	v1 =	vor.u32 v3, v1;
	v3 =	vld [tilespmem:$0x1FED0]  }
0x6c: {  	v0 =	vor.u32 v6, v0;
	v6 =	vld [tilespmem:$0x1FEC0];
	_ =	sdelay $0x3  }
0x6d: {  	s18 =	sadd.s32 s18, s6;
	v7 =	vlaneseq.u32;
	v0 =	vor.u32 v5, v0;
	v1 =	vor.u32 v3, v1  }
0x6e: {  	v0 =	vor.u32 v57, v0;
	v3 =	vor.u32 s18, v7;
	s18 =	sadd.s32 $0x10, s18;
	v1 =	vor.u32 v6, v1  }
0x6f: {  	vm0 =	vge.u32 v3, v22;
	v59 =	vor.u32 s18, v7;
	vm1 =	vgt.s32 v1, $0x0  }
0x70: {  	vm15 =	vgt.s32 v0, $0x0;
	vm2 =	vge.u32 v59, v22;
	vm0 =	vmand vm0, vm1  }
0x71: {  	vm1 =	vmand vm2, vm15;
	v60 =	vsel vm0, $0x1, v23  }
0x72: {  	v61 =	vsel vm1, $0x1, v23;
	v62 =	vmpcnt.ones.xlane vm0;
	(xrf0) =	vadd.scan.msk.s32 $0xffff, v60  }
0x73: {  	(xrf0) =	vadd.scan.msk.s32 $0xffff, v61  }
0x74: {  	v0 =	vadd.s32 v4, v62;
	v4 =	vld [tilespmem:$0x1FFE0];
	_ =	sdelay $0x3  }
0x75: {  	v63, _, _ =	vpop (xrf0)  }
0x76: {  	v2 =	vadd.s32 v63, v4;
	v4, _, _ =	vpop (xrf0)  }
0x77: {  	v2 =	vadd.s32 $0xFFFFFFFF, v2;
	v4 =	vadd.s32 v4, v0  }
0x78: {  	v4 =	vadd.s32 $0xFFFFFFFF, v4;
	_ =	sdelay $0x2  }
0x79: {  	v5 =	vmpcnt.ones.xlane vm1  }
0x7a: {  	[tilespmem:v2+s12+$0x0] =	vst.idx.msk vm0, v3  }
0x7b: {  	v0 =	vadd.s32 v0, v5;
	[tilespmem:v4+s12+$0x0] =	vst.idx.msk vm1, v59  }
0x7c: {  	[tilespmem:$0x14280] =	vst v0  }
0x7d: {  	[spmem:s8] =	stream.linear.scatter [tilespmem:s12], [sflag:$0x1], $0x280, $0x38;
	[tilespmem:$0x19610] =	vst v63  }
0x7e: {  	_ =	swait.ge [sflag:s11], $0x280  }
0x7f: {  	[sflag:s11] =	ssyncset.done $0x0  }
0x80: {  	[sflag:s11] =	ssyncadd.s32 $0xFFFFFD80  }
0x81: {  	[spmem:s9] =	stream.linear.scatter [tilespmem:s13], [sflag:$0x1], $0x10, $0x38;
	[tilespmem:$0x19610] =	vst v63  }
0x82: {  	_ =	swait.ge [sflag:s11], $0x10  }
0x83: {  	[sflag:s11] =	ssyncset.done $0x0  }
0x84: {  	v5 =	vlaneseq.u32;
	v14 =	vld [tilespmem:$0x1FFF0];
	[sflag:s11] =	ssyncadd.s32 $0xFFFFFFF0  }
.LBB2_7:
.Ltmp1:
0x85: {  	(pc) =	sbr.rel @!p1 .LBB2_8-.Ltmp1, $2  }
0x86: {  	_ =	sdelay $0x1  }
0x87: {  	[bflag:$0x0] =	sbarrier.arrive $0xFFFF;
	_ =	sdelay $0x1  }
.LBB2_43:
0x88: {  	s17 =	sadd.s32 $0x1, s17  }
0x89: {  	p2 =	sne.s32 s17, s10  }
.Ltmp2:
0x8a: {  	_ = 	snop;
	(pc) =	sbr.rel @!p2 .LBB2_44-.Ltmp2, $1  }
0x8b: {  	_ =	sdelay $0x3  }
.LBB2_1:
.Ltmp3:
0x8c: {  	(pc) =	sbr.rel @p0 .LBB2_7-.Ltmp3, $1  }
0x8d: {  	_ =	sdelay $0x3  }
0x8e: {  	[tilespmem:s5], [sflag:$0x1] =	stream.linear.gather [hbm4b:s7+s5], $0x14000, $0x38;
	[tilespmem:$0x19610] =	vst v63  }
0x8f: {  	_ =	swait.ge [sflag:s11], $0x14000  }
0x90: {  	s19 =	simm.s32 $0x14010;
	[sflag:s11] =	ssyncset.done $0x0  }
0x91: {  	s18 =	simm.s32 $0x0;
	v4 =	vimm.s32 $0x0;
	s20 =	simm.s32 $0x14010;
	[sflag:s11] =	ssyncadd.s32 $0xFFFEC000  }
.LBB2_3:
0x92: {  	s18 =	sadd.s32 $0x2, s18  }
0x93: {  	[tilespmem:s19+$0xFFFFFFF0] =	vst v4;
	s20 =	sadd.s32 $0x20, s20;
	p2 =	slt.u32 s18, $0x26  }
.Ltmp4:
0x94: {  	[tilespmem:s19+$0x0] =	vst v4;
	s19 =	smov.u32 s20;
	(pc) =	sbr.rel @p2 .LBB2_3-.Ltmp4, $1  }
0x95: {  	_ =	sdelay $0x3  }
0x96: {  	s18 =	simm.s32 $0x0  }
0x97: {  	v0 =	vmov s18  }
0x98: {  	v0 =	vshll.u32 v0, $0x7  }
0x99: {  	v0 =	vor.u32 v14, v0  }
0x9a: {  	v1 =	vor.u32 $0x3F, v0;
	_ =	sdelay $0x2  }
0x9b: {  	[tilespmem:s19+$0xFFFFFFF0] =	vst v4  }
0x9c: {  	[tilespmem:s19+$0x0] =	vst v4  }
0x9d: {  	v1 =	vld.idx.msk [tilespmem:v1+s5+$0x0], $0xffff  }
0x9e: {  	v2 =	vor.u32 $0x3E, v0;
	_ =	sdelay $0x3  }
0x9f: {  	v45 =	vld.idx.msk [tilespmem:v0+s5+$0x0], $0xffff;
	[tilespmem:$0x1FEC0] =	vst v1  }
0xa0: {  	v2 =	vld.idx.msk [tilespmem:v2+s5+$0x0], $0xffff  }
0xa1: {  	v3 =	vor.u32 $0x3D, v0;
	_ =	sdelay $0x3  }
0xa2: {  	[tilespmem:$0x1FED0] =	vst v2  }
0xa3: {  	v3 =	vld.idx.msk [tilespmem:v3+s5+$0x0], $0xffff  }
0xa4: {  	v5 =	vor.u32 $0x3C, v0;
	_ =	sdelay $0x3  }
0xa5: {  	[tilespmem:$0x1FEE0] =	vst v3  }
0xa6: {  	v5 =	vld.idx.msk [tilespmem:v5+s5+$0x0], $0xffff  }
0xa7: {  	v6 =	vor.u32 $0x3B, v0;
	_ =	sdelay $0x3  }
0xa8: {  	[tilespmem:$0x1FEF0] =	vst v5  }
0xa9: {  	v6 =	vld.idx.msk [tilespmem:v6+s5+$0x0], $0xffff  }
0xaa: {  	v7 =	vor.u32 $0x3A, v0;
	_ =	sdelay $0x3  }
0xab: {  	[tilespmem:$0x1FF00] =	vst v6  }
0xac: {  	v7 =	vld.idx.msk [tilespmem:v7+s5+$0x0], $0xffff  }
0xad: {  	v1 =	vor.u32 $0x39, v0;
	_ =	sdelay $0x3  }
0xae: {  	[tilespmem:$0x1FF10] =	vst v7  }
0xaf: {  	v1 =	vld.idx.msk [tilespmem:v1+s5+$0x0], $0xffff  }
0xb0: {  	v2 =	vor.u32 $0x38, v0;
	_ =	sdelay $0x3  }
0xb1: {  	[tilespmem:$0x1FF20] =	vst v1  }
0xb2: {  	v2 =	vld.idx.msk [tilespmem:v2+s5+$0x0], $0xffff  }
0xb3: {  	v3 =	vor.u32 $0x37, v0;
	_ =	sdelay $0x3  }
0xb4: {  	[tilespmem:$0x1FF30] =	vst v2  }
0xb5: {  	v3 =	vld.idx.msk [tilespmem:v3+s5+$0x0], $0xffff  }
0xb6: {  	v5 =	vor.u32 $0x36, v0;
	_ =	sdelay $0x3  }
0xb7: {  	[tilespmem:$0x1FF40] =	vst v3  }
0xb8: {  	v5 =	vld.idx.msk [tilespmem:v5+s5+$0x0], $0xffff  }
0xb9: {  	v1 =	vor.u32 $0x33, v0;
	_ =	sdelay $0x2  }
0xba: {  	v6 =	vor.u32 $0x35, v0  }
0xbb: {  	v7 =	vor.u32 $0x34, v0;
	[tilespmem:$0x1FF50] =	vst v5  }
0xbc: {  	v26 =	vld.idx.msk [tilespmem:v1+s5+$0x0], $0xffff;
	v1 =	vor.u32 $0x2D, v0  }
0xbd: {  	v2 =	vor.u32 $0x32, v0  }
0xbe: {  	v3 =	vor.u32 $0x31, v0  }
0xbf: {  	v5 =	vor.u32 $0x30, v0;
	v24 =	vld.idx.msk [tilespmem:v6+s5+$0x0], $0xffff  }
0xc0: {  	v6 =	vor.u32 $0x2F, v0;
	v25 =	vld.idx.msk [tilespmem:v7+s5+$0x0], $0xffff  }
0xc1: {  	v7 =	vor.u32 $0x2E, v0;
	v1 =	vld.idx.msk [tilespmem:v1+s5+$0x0], $0xffff  }
0xc2: {  	v27 =	vld.idx.msk [tilespmem:v2+s5+$0x0], $0xffff;
	v2 =	vor.u32 $0x2C, v0  }
0xc3: {  	v28 =	vld.idx.msk [tilespmem:v3+s5+$0x0], $0xffff  }
0xc4: {  	v29 =	vld.idx.msk [tilespmem:v5+s5+$0x0], $0xffff  }
0xc5: {  	v30 =	vld.idx.msk [tilespmem:v6+s5+$0x0], $0xffff  }
0xc6: {  	v31 =	vld.idx.msk [tilespmem:v7+s5+$0x0], $0xffff;
	[tilespmem:$0x1FF60] =	vst v1  }
0xc7: {  	v2 =	vld.idx.msk [tilespmem:v2+s5+$0x0], $0xffff  }
0xc8: {  	v3 =	vor.u32 $0x2B, v0;
	_ =	sdelay $0x3  }
0xc9: {  	[tilespmem:$0x1FF70] =	vst v2  }
0xca: {  	v3 =	vld.idx.msk [tilespmem:v3+s5+$0x0], $0xffff  }
0xcb: {  	v5 =	vor.u32 $0x2A, v0;
	_ =	sdelay $0x3  }
0xcc: {  	[tilespmem:$0x1FF80] =	vst v3  }
0xcd: {  	v5 =	vld.idx.msk [tilespmem:v5+s5+$0x0], $0xffff  }
0xce: {  	v6 =	vor.u32 $0x29, v0;
	_ =	sdelay $0x3  }
0xcf: {  	[tilespmem:$0x1FF90] =	vst v5  }
0xd0: {  	v6 =	vld.idx.msk [tilespmem:v6+s5+$0x0], $0xffff  }
0xd1: {  	v7 =	vor.u32 $0x28, v0;
	_ =	sdelay $0x3  }
0xd2: {  	[tilespmem:$0x1FFA0] =	vst v6  }
0xd3: {  	v7 =	vld.idx.msk [tilespmem:v7+s5+$0x0], $0xffff  }
0xd4: {  	v1 =	vor.u32 $0x27, v0;
	_ =	sdelay $0x3  }
0xd5: {  	[tilespmem:$0x1FFB0] =	vst v7  }
0xd6: {  	v1 =	vld.idx.msk [tilespmem:v1+s5+$0x0], $0xffff  }
0xd7: {  	v2 =	vor.u32 $0x26, v0;
	_ =	sdelay $0x3  }
0xd8: {  	[tilespmem:$0x1FFC0] =	vst v1  }
0xd9: {  	v2 =	vld.idx.msk [tilespmem:v2+s5+$0x0], $0xffff  }
0xda: {  	v3 =	vor.u32 $0x25, v0  }
0xdb: {  	v5 =	vor.u32 $0x24, v0  }
0xdc: {  	v6 =	vor.u32 $0x23, v0  }
0xdd: {  	v7 =	vor.u32 $0x22, v0  }
0xde: {  	v1 =	vor.u32 $0x21, v0;
	[tilespmem:$0x1FFD0] =	vst v2  }
0xdf: {  	v2 =	vor.u32 $0x20, v0;
	v32 =	vld.idx.msk [tilespmem:v3+s5+$0x0], $0xffff  }
0xe0: {  	v3 =	vor.u32 $0x1F, v0;
	v34 =	vld.idx.msk [tilespmem:v5+s5+$0x0], $0xffff  }
0xe1: {  	v5 =	vor.u32 $0x1E, v0;
	v35 =	vld.idx.msk [tilespmem:v6+s5+$0x0], $0xffff  }
0xe2: {  	v6 =	vor.u32 $0x1D, v0;
	v36 =	vld.idx.msk [tilespmem:v7+s5+$0x0], $0xffff  }
0xe3: {  	v7 =	vor.u32 $0x1C, v0;
	v38 =	vld.idx.msk [tilespmem:v1+s5+$0x0], $0xffff  }
0xe4: {  	v1 =	vor.u32 $0x1B, v0;
	v39 =	vld.idx.msk [tilespmem:v2+s5+$0x0], $0xffff  }
0xe5: {  	v2 =	vor.u32 $0x1A, v0;
	v40 =	vld.idx.msk [tilespmem:v3+s5+$0x0], $0xffff  }
0xe6: {  	v3 =	vor.u32 $0x19, v0;
	v41 =	vld.idx.msk [tilespmem:v5+s5+$0x0], $0xffff  }
0xe7: {  	v5 =	vor.u32 $0x18, v0;
	v42 =	vld.idx.msk [tilespmem:v6+s5+$0x0], $0xffff  }
0xe8: {  	v6 =	vor.u32 $0x17, v0;
	v43 =	vld.idx.msk [tilespmem:v7+s5+$0x0], $0xffff  }
0xe9: {  	v7 =	vor.u32 $0x16, v0;
	v44 =	vld.idx.msk [tilespmem:v1+s5+$0x0], $0xffff  }
0xea: {  	v1 =	vor.u32 $0x15, v0;
	v46 =	vld.idx.msk [tilespmem:v2+s5+$0x0], $0xffff  }
0xeb: {  	v2 =	vor.u32 $0x14, v0;
	v49 =	vld.idx.msk [tilespmem:v3+s5+$0x0], $0xffff  }
0xec: {  	v3 =	vor.u32 $0x13, v0;
	v50 =	vld.idx.msk [tilespmem:v5+s5+$0x0], $0xffff  }
0xed: {  	v5 =	vor.u32 $0x12, v0;
	v51 =	vld.idx.msk [tilespmem:v6+s5+$0x0], $0xffff  }
0xee: {  	v6 =	vor.u32 $0x11, v0;
	v52 =	vld.idx.msk [tilespmem:v7+s5+$0x0], $0xffff  }
0xef: {  	v7 =	vor.u32 $0x10, v0;
	v53 =	vld.idx.msk [tilespmem:v1+s5+$0x0], $0xffff  }
0xf0: {  	v1 =	vor.u32 $0xF, v0;
	v54 =	vld.idx.msk [tilespmem:v2+s5+$0x0], $0xffff  }
0xf1: {  	v2 =	vor.u32 $0xE, v0;
	v55 =	vld.idx.msk [tilespmem:v3+s5+$0x0], $0xffff  }
0xf2: {  	v3 =	vor.u32 $0xD, v0;
	v56 =	vld.idx.msk [tilespmem:v5+s5+$0x0], $0xffff  }
0xf3: {  	v5 =	vor.u32 $0xC, v0;
	v57 =	vld.idx.msk [tilespmem:v6+s5+$0x0], $0xffff  }
0xf4: {  	v6 =	vor.u32 $0xB, v0;
	v58 =	vld.idx.msk [tilespmem:v7+s5+$0x0], $0xffff  }
0xf5: {  	v7 =	vor.u32 $0xA, v0;
	v59 =	vld.idx.msk [tilespmem:v1+s5+$0x0], $0xffff  }
0xf6: {  	v1 =	vor.u32 $0x9, v0;
	v60 =	vld.idx.msk [tilespmem:v2+s5+$0x0], $0xffff  }
0xf7: {  	v8 =	vor.u32 $0x7, v0;
	v61 =	vld.idx.msk [tilespmem:v3+s5+$0x0], $0xffff  }
0xf8: {  	v11 =	vor.u32 $0x4, v0;
	v62 =	vld.idx.msk [tilespmem:v5+s5+$0x0], $0xffff  }
0xf9: {  	v9 =	vor.u32 $0x6, v0;
	v63 =	vld.idx.msk [tilespmem:v6+s5+$0x0], $0xffff  }
0xfa: {  	v12 =	vor.u32 $0x3, v0;
	v3 =	vld.idx.msk [tilespmem:v7+s5+$0x0], $0xffff  }
0xfb: {  	v10 =	vor.u32 $0x5, v0;
	v1 =	vld.idx.msk [tilespmem:v1+s5+$0x0], $0xffff  }
0xfc: {  	s31 =	simm.s32 $0x10;
	v13 =	vor.u32 $0x2, v0;
	v5 =	vld.idx.msk [tilespmem:v8+s5+$0x0], $0xffff  }
0xfd: {  	v2 =	vor.u32 $0x8, v0;
	v6 =	vmov s31;
	v8 =	vld.idx.msk [tilespmem:v11+s5+$0x0], $0xffff  }
0xfe: {  	v0 =	vor.u32 $0x1, v0;
	v7 =	vshll.u32 v6, $0x7;
	v6 =	vld.idx.msk [tilespmem:v9+s5+$0x0], $0xffff  }
0xff: {  	v9 =	vld.idx.msk [tilespmem:v12+s5+$0x0], $0xffff;
	v33 =	vor.u32 v14, v7  }
0x100: {  	v7 =	vld.idx.msk [tilespmem:v10+s5+$0x0], $0xffff;
	v14 =	vor.u32 $0x1, v33  }
0x101: {  	v10 =	vld.idx.msk [tilespmem:v13+s5+$0x0], $0xffff;
	v11 =	vor.u32 $0x2, v33  }
0x102: {  	v47 =	vor.u32 $0x3, v33;
	v2 =	vld.idx.msk [tilespmem:v2+s5+$0x0], $0xffff  }
0x103: {  	v48 =	vor.u32 $0x4, v33;
	v13 =	vld.idx.msk [tilespmem:v0+s5+$0x0], $0xffff  }
0x104: {  	v0 =	vld.idx.msk [tilespmem:v33+s5+$0x0], $0xffff  }
0x105: {  	v12 =	vld.idx.msk [tilespmem:v14+s5+$0x0], $0xffff  }
0x106: {  	s19 =	simm.s32 $0x0;
	s20 =	simm.s32 $0x20;
	v37 =	vor.u32 $0x5, v33;
	v15 =	vor.u32 $0x7, v33;
	v11 =	vld.idx.msk [tilespmem:v11+s5+$0x0], $0xffff;
	v14 =	vor.u32 $0x6, v33;
	[tilespmem:$0x1FFE0] =	vst v4  }
.LBB2_5:
0x107: {  	[tilespmem:$0x1FEB0] =	vst v24;
	s21 =	sadd.s32 s18, s6;
	v17 =	vld.idx.msk [tilespmem:v47+s5+$0x0], $0xffff;
	v24 =	vlaneseq.u32  }
0x108: {  	v19 =	vld.idx.msk [tilespmem:v48+s5+$0x0], $0xffff;
	v47 =	vor.u32 s21, v24;
	s21 =	sadd.s32 $0x10, s21  }
0x109: {  	v48 =	vor.u32 s21, v24;
	v24 =	vld [tilespmem:$0x1FFF0]  }
0x10a: {  	v16 =	vmov s20;
	v18 =	vor.u32 $0x8, v33  }
0x10b: {  	v20 =	vor.u32 $0x9, v33;
	v13 =	vor.u32 v45, v13;
	v0 =	vor.u32 v0, v12  }
0x10c: {  	v16 =	vshll.u32 v16, $0x7;
	v10 =	vor.u32 v10, v13;
	v13 =	vld.idx.msk [tilespmem:v15+s5+$0x0], $0xffff;
	v15 =	vor.u32 $0xC, v33  }
0x10d: {  	v21 =	vld.idx.msk [tilespmem:v37+s5+$0x0], $0xffff;
	v23 =	vmovc v22;
	vm0 =	vge.u32 v47, v22;
	v22 =	vor.u32 $0xA, v33;
	v9 =	vor.u32 v9, v10  }
0x10e: {  	v14 =	vld.idx.msk [tilespmem:v14+s5+$0x0], $0xffff;
	v8 =	vor.u32 v8, v9;
	v37 =	vor.u32 v24, v16;
	v16 =	vor.u32 $0xB, v33  }
0x10f: {  	v12 =	vor.u32 $0xD, v33;
	v0 =	vor.u32 v11, v0;
	v7 =	vor.u32 v7, v8;
	v10 =	vld.idx.msk [tilespmem:v18+s5+$0x0], $0xffff  }
0x110: {  	v11 =	vor.u32 $0xE, v33;
	v9 =	vld.idx.msk [tilespmem:v20+s5+$0x0], $0xffff;
	v0 =	vor.u32 v17, v0;
	v6 =	vor.u32 v6, v7  }
0x111: {  	v17 =	vor.u32 $0xF, v33;
	v0 =	vor.u32 v19, v0;
	v5 =	vor.u32 v5, v6;
	v6 =	vld.idx.msk [tilespmem:v15+s5+$0x0], $0xffff  }
0x112: {  	v15 =	vor.u32 $0x11, v33;
	v8 =	vld.idx.msk [tilespmem:v22+s5+$0x0], $0xffff;
	v0 =	vor.u32 v21, v0  }
0x113: {  	v0 =	vor.u32 v14, v0;
	v7 =	vld.idx.msk [tilespmem:v16+s5+$0x0], $0xffff;
	v16 =	vor.u32 $0x10, v33  }
0x114: {  	v2 =	vor.u32 v2, v5;
	v5 =	vld.idx.msk [tilespmem:v12+s5+$0x0], $0xffff;
	v12 =	vor.u32 $0x12, v33;
	v0 =	vor.u32 v13, v0  }
0x115: {  	v1 =	vor.u32 v1, v2;
	v2 =	vld.idx.msk [tilespmem:v11+s5+$0x0], $0xffff;
	v11 =	vor.u32 $0x13, v33;
	v0 =	vor.u32 v10, v0  }
0x116: {  	v1 =	vor.u32 v3, v1;
	v3 =	vld.idx.msk [tilespmem:v17+s5+$0x0], $0xffff;
	v10 =	vor.u32 $0x14, v33;
	v0 =	vor.u32 v9, v0  }
0x117: {  	v13 =	vor.u32 $0x15, v33;
	v0 =	vor.u32 v8, v0;
	v8 =	vld.idx.msk [tilespmem:v15+s5+$0x0], $0xffff  }
0x118: {  	v14 =	vor.u32 $0x16, v33;
	v9 =	vld.idx.msk [tilespmem:v16+s5+$0x0], $0xffff  }
0x119: {  	v0 =	vor.u32 v7, v0;
	v7 =	vld.idx.msk [tilespmem:v12+s5+$0x0], $0xffff;
	v12 =	vor.u32 $0x17, v33  }
0x11a: {  	v0 =	vor.u32 v6, v0;
	v6 =	vld.idx.msk [tilespmem:v11+s5+$0x0], $0xffff;
	v11 =	vor.u32 $0x18, v33  }
0x11b: {  	v0 =	vor.u32 v5, v0;
	v5 =	vld.idx.msk [tilespmem:v10+s5+$0x0], $0xffff;
	v10 =	vor.u32 $0x19, v33  }
0x11c: {  	v1 =	vor.u32 v63, v1;
	v0 =	vor.u32 v2, v0;
	v2 =	vld.idx.msk [tilespmem:v13+s5+$0x0], $0xffff;
	v13 =	vor.u32 $0x1A, v33  }
0x11d: {  	v1 =	vor.u32 v62, v1;
	v0 =	vor.u32 v3, v0;
	v3 =	vld.idx.msk [tilespmem:v14+s5+$0x0], $0xffff;
	v14 =	vor.u32 $0x1B, v33  }
0x11e: {  	v1 =	vor.u32 v61, v1;
	v0 =	vor.u32 v9, v0;
	v9 =	vld.idx.msk [tilespmem:v12+s5+$0x0], $0xffff;
	v12 =	vor.u32 $0x1C, v33  }
0x11f: {  	v1 =	vor.u32 v60, v1;
	v0 =	vor.u32 v8, v0;
	v8 =	vld.idx.msk [tilespmem:v11+s5+$0x0], $0xffff;
	v11 =	vor.u32 $0x1D, v33  }
0x120: {  	v1 =	vor.u32 v59, v1;
	v0 =	vor.u32 v7, v0;
	v7 =	vld.idx.msk [tilespmem:v10+s5+$0x0], $0xffff;
	v10 =	vor.u32 $0x1E, v33  }
0x121: {  	v1 =	vor.u32 v58, v1;
	v0 =	vor.u32 v6, v0;
	v6 =	vld.idx.msk [tilespmem:v13+s5+$0x0], $0xffff;
	v13 =	vor.u32 $0x1F, v33  }
0x122: {  	v1 =	vor.u32 v57, v1;
	v0 =	vor.u32 v5, v0;
	v5 =	vld.idx.msk [tilespmem:v14+s5+$0x0], $0xffff;
	v14 =	vor.u32 $0x20, v33  }
0x123: {  	v1 =	vor.u32 v56, v1;
	v0 =	vor.u32 v2, v0;
	v2 =	vld.idx.msk [tilespmem:v12+s5+$0x0], $0xffff;
	v12 =	vor.u32 $0x21, v33  }
0x124: {  	v1 =	vor.u32 v55, v1;
	v0 =	vor.u32 v3, v0;
	v3 =	vld.idx.msk [tilespmem:v11+s5+$0x0], $0xffff;
	v11 =	vor.u32 $0x22, v33  }
0x125: {  	v1 =	vor.u32 v54, v1;
	v0 =	vor.u32 v9, v0;
	v9 =	vld.idx.msk [tilespmem:v10+s5+$0x0], $0xffff;
	v10 =	vor.u32 $0x23, v33  }
0x126: {  	v1 =	vor.u32 v53, v1;
	v0 =	vor.u32 v8, v0;
	v8 =	vld.idx.msk [tilespmem:v13+s5+$0x0], $0xffff;
	v13 =	vor.u32 $0x24, v33  }
0x127: {  	v1 =	vor.u32 v52, v1;
	v0 =	vor.u32 v7, v0;
	v7 =	vld.idx.msk [tilespmem:v14+s5+$0x0], $0xffff;
	v14 =	vor.u32 $0x25, v33  }
0x128: {  	v1 =	vor.u32 v51, v1;
	v0 =	vor.u32 v6, v0;
	v6 =	vld.idx.msk [tilespmem:v12+s5+$0x0], $0xffff;
	v12 =	vor.u32 $0x26, v33  }
0x129: {  	v1 =	vor.u32 v50, v1;
	v0 =	vor.u32 v5, v0;
	v5 =	vld.idx.msk [tilespmem:v11+s5+$0x0], $0xffff;
	v11 =	vor.u32 $0x27, v33  }
0x12a: {  	v1 =	vor.u32 v49, v1;
	v0 =	vor.u32 v2, v0;
	v2 =	vld.idx.msk [tilespmem:v10+s5+$0x0], $0xffff;
	v10 =	vor.u32 $0x28, v33  }
0x12b: {  	v1 =	vor.u32 v46, v1;
	v0 =	vor.u32 v3, v0;
	v3 =	vld.idx.msk [tilespmem:v13+s5+$0x0], $0xffff;
	v13 =	vor.u32 $0x29, v33  }
0x12c: {  	v1 =	vor.u32 v44, v1;
	v0 =	vor.u32 v9, v0;
	v9 =	vld.idx.msk [tilespmem:v14+s5+$0x0], $0xffff;
	v14 =	vor.u32 $0x2A, v33  }
0x12d: {  	v1 =	vor.u32 v43, v1;
	v0 =	vor.u32 v8, v0;
	v8 =	vld.idx.msk [tilespmem:v12+s5+$0x0], $0xffff  }
0x12e: {  	v1 =	vor.u32 v42, v1;
	v0 =	vor.u32 v7, v0;
	v7 =	vld.idx.msk [tilespmem:v11+s5+$0x0], $0xffff  }
0x12f: {  	v1 =	vor.u32 v41, v1;
	v0 =	vor.u32 v6, v0;
	v6 =	vld.idx.msk [tilespmem:v10+s5+$0x0], $0xffff  }
0x130: {  	v1 =	vor.u32 v40, v1;
	v0 =	vor.u32 v5, v0;
	v5 =	vld.idx.msk [tilespmem:v13+s5+$0x0], $0xffff  }
0x131: {  	v1 =	vor.u32 v39, v1;
	v0 =	vor.u32 v2, v0;
	v2 =	vld.idx.msk [tilespmem:v14+s5+$0x0], $0xffff  }
0x132: {  	v1 =	vor.u32 v38, v1;
	v12 =	vor.u32 $0x2B, v33;
	v0 =	vor.u32 v3, v0;
	v3 =	vld [tilespmem:$0x1FFD0]  }
0x133: {  	v1 =	vor.u32 v36, v1;
	v0 =	vor.u32 v9, v0;
	v9 =	vld [tilespmem:$0x1FFC0]  }
0x134: {  	v1 =	vor.u32 v35, v1;
	v11 =	vor.u32 $0x2C, v33;
	v0 =	vor.u32 v8, v0;
	v8 =	vld [tilespmem:$0x1FFB0]  }
0x135: {  	v1 =	vor.u32 v34, v1;
	v0 =	vor.u32 v7, v0;
	v7 =	vld [tilespmem:$0x1FFA0]  }
0x136: {  	v1 =	vor.u32 v32, v1;
	v10 =	vor.u32 $0x2D, v33;
	v0 =	vor.u32 v6, v0;
	v6 =	vld [tilespmem:$0x1FF90]  }
0x137: {  	v1 =	vor.u32 v3, v1;
	v3 =	vld.idx.msk [tilespmem:v12+s5+$0x0], $0xffff  }
0x138: {  	v13 =	vor.u32 $0x2E, v33;
	v0 =	vor.u32 v5, v0;
	v5 =	vld [tilespmem:$0x1FF80]  }
0x139: {  	v14 =	vor.u32 $0x2F, v33;
	v1 =	vor.u32 v9, v1;
	v9 =	vld.idx.msk [tilespmem:v11+s5+$0x0], $0xffff  }
0x13a: {  	v12 =	vor.u32 $0x30, v33;
	v0 =	vor.u32 v2, v0;
	v2 =	vld [tilespmem:$0x1FF70]  }
0x13b: {  	v11 =	vor.u32 $0x31, v33;
	v1 =	vor.u32 v8, v1;
	v8 =	vld.idx.msk [tilespmem:v10+s5+$0x0], $0xffff  }
0x13c: {  	v10 =	vor.u32 $0x32, v33;
	v0 =	vor.u32 v3, v0;
	v3 =	vld [tilespmem:$0x1FF60]  }
0x13d: {  	v1 =	vor.u32 v7, v1;
	v7 =	vld.idx.msk [tilespmem:v13+s5+$0x0], $0xffff;
	v13 =	vor.u32 $0x33, v33  }
0x13e: {  	v1 =	vor.u32 v6, v1;
	v6 =	vld.idx.msk [tilespmem:v14+s5+$0x0], $0xffff;
	v14 =	vor.u32 $0x34, v33  }
0x13f: {  	v1 =	vor.u32 v5, v1;
	v5 =	vld.idx.msk [tilespmem:v12+s5+$0x0], $0xffff  }
0x140: {  	v1 =	vor.u32 v2, v1;
	v2 =	vld.idx.msk [tilespmem:v11+s5+$0x0], $0xffff;
	v0 =	vor.u32 v9, v0  }
0x141: {  	v11 =	vor.u32 $0x36, v33;
	v0 =	vor.u32 v8, v0;
	v1 =	vor.u32 v3, v1;
	v3 =	vld.idx.msk [tilespmem:v10+s5+$0x0], $0xffff  }
0x142: {  	v9 =	vld.idx.msk [tilespmem:v13+s5+$0x0], $0xffff;
	v0 =	vor.u32 v7, v0  }
0x143: {  	v8 =	vld.idx.msk [tilespmem:v14+s5+$0x0], $0xffff;
	v0 =	vor.u32 v6, v0  }
0x144: {  	v0 =	vor.u32 v5, v0  }
0x145: {  	v1 =	vor.u32 v31, v1;
	v0 =	vor.u32 v2, v0  }
0x146: {  	v6 =	vld.idx.msk [tilespmem:v11+s5+$0x0], $0xffff;
	v1 =	vor.u32 v30, v1;
	v0 =	vor.u32 v3, v0  }
0x147: {  	v1 =	vor.u32 v29, v1;
	v0 =	vor.u32 v9, v0;
	v9 =	vld [tilespmem:$0x1FEB0]  }
0x148: {  	v11 =	vor.u32 $0x3B, v33;
	v1 =	vor.u32 v28, v1;
	v0 =	vor.u32 v8, v0;
	v8 =	vld [tilespmem:$0x1FF50]  }
0x149: {  	v1 =	vor.u32 v27, v1  }
0x14a: {  	v1 =	vor.u32 v26, v1  }
0x14b: {  	v1 =	vor.u32 v25, v1  }
0x14c: {  	v1 =	vor.u32 v9, v1  }
0x14d: {  	v13 =	vor.u32 $0x38, v33;
	v1 =	vor.u32 v8, v1;
	v8 =	vld.idx.msk [tilespmem:v11+s5+$0x0], $0xffff  }
0x14e: {  	v11 =	vld [tilespmem:$0x1FF40];
	_ =	sdelay $0x3  }
0x14f: {  	v14 =	vor.u32 $0x39, v33;
	v2 =	vld.idx.msk [tilespmem:v13+s5+$0x0], $0xffff  }
0x150: {  	v13 =	vor.u32 $0x3D, v33;
	v1 =	vor.u32 v11, v1;
	v11 =	vld [tilespmem:$0x1FF30];
	_ =	sdelay $0x3  }
0x151: {  	v3 =	vld.idx.msk [tilespmem:v14+s5+$0x0], $0xffff  }
0x152: {  	v12 =	vor.u32 $0x35, v33;
	v1 =	vor.u32 v11, v1;
	v11 =	vld.idx.msk [tilespmem:v13+s5+$0x0], $0xffff  }
0x153: {  	v14 =	vor.u32 $0x3E, v33;
	v13 =	vld [tilespmem:$0x1FF20];
	_ =	sdelay $0x1  }
0x154: {  	v10 =	vor.u32 $0x37, v33;
	_ =	sdelay $0x1  }
0x155: {  	v7 =	vld.idx.msk [tilespmem:v12+s5+$0x0], $0xffff  }
0x156: {  	v1 =	vor.u32 v13, v1;
	v13 =	vld.idx.msk [tilespmem:v14+s5+$0x0], $0xffff  }
0x157: {  	v14 =	vld [tilespmem:$0x1FF10]  }
0x158: {  	v5 =	vld.idx.msk [tilespmem:v10+s5+$0x0], $0xffff;
	_ =	sdelay $0x2  }
0x159: {  	v0 =	vor.u32 v7, v0  }
0x15a: {  	v0 =	vor.u32 v6, v0;
	v1 =	vor.u32 v14, v1;
	v14 =	vld [tilespmem:$0x1FF00]  }
0x15b: {  	v0 =	vor.u32 v5, v0;
	v5 =	vor.u32 $0x3D, v37  }
0x15c: {  	v0 =	vor.u32 v2, v0;
	v2 =	vor.u32 $0x3C, v37;
	_ =	sdelay $0x1  }
0x15d: {  	v12 =	vor.u32 $0x3A, v33  }
0x15e: {  	v1 =	vor.u32 v14, v1;
	v14 =	vld [tilespmem:$0x1FEF0]  }
0x15f: {  	v5 =	vld.idx.msk [tilespmem:v5+s5+$0x0], $0xffff  }
0x160: {  	v2 =	vld.idx.msk [tilespmem:v2+s5+$0x0], $0xffff;
	_ =	sdelay $0x1  }
0x161: {  	v9 =	vld.idx.msk [tilespmem:v12+s5+$0x0], $0xffff;
	v0 =	vor.u32 v3, v0;
	v3 =	vor.u32 $0x3B, v37  }
0x162: {  	v10 =	vor.u32 $0x3C, v33;
	v1 =	vor.u32 v14, v1;
	v14 =	vld [tilespmem:$0x1FEE0]  }
0x163: {  	[tilespmem:$0x1FEE0] =	vst v5;
	v5 =	vld [tilespmem:$0x1FED0]  }
0x164: {  	[tilespmem:$0x1FEF0] =	vst v2;
	v2 =	vld [tilespmem:$0x1FEC0]  }
0x165: {  	v7 =	vor.u32 $0x3F, v37  }
0x166: {  	v0 =	vor.u32 v9, v0;
	v9 =	vor.u32 $0x3A, v37;
	v3 =	vld.idx.msk [tilespmem:v3+s5+$0x0], $0xffff  }
0x167: {  	v10 =	vld.idx.msk [tilespmem:v10+s5+$0x0], $0xffff;
	v12 =	vor.u32 $0x3F, v33;
	v1 =	vor.u32 v14, v1  }
0x168: {  	v1 =	vor.u32 v5, v1  }
0x169: {  	v1 =	vor.u32 v2, v1;
	v2 =	vor.u32 $0x36, v37  }
0x16a: {  	v7 =	vld.idx.msk [tilespmem:v7+s5+$0x0], $0xffff  }
0x16b: {  	v0 =	vor.u32 v8, v0;
	v8 =	vor.u32 $0x39, v37;
	[tilespmem:$0x1FF00] =	vst v3;
	v3 =	vld.idx.msk [tilespmem:v9+s5+$0x0], $0xffff  }
0x16c: {  	v12 =	vld.idx.msk [tilespmem:v12+s5+$0x0], $0xffff;
	v0 =	vor.u32 v10, v0;
	v10 =	vor.u32 $0x38, v37  }
0x16d: {  	v6 =	vor.u32 $0x3E, v37  }
0x16e: {  	v5 =	vor.u32 $0x37, v37;
	v2 =	vld.idx.msk [tilespmem:v2+s5+$0x0], $0xffff  }
0x16f: {  	v0 =	vor.u32 v11, v0  }
0x170: {  	v0 =	vor.u32 v13, v0;
	[tilespmem:$0x1FF10] =	vst v3;
	v3 =	vld.idx.msk [tilespmem:v8+s5+$0x0], $0xffff;
	v8 =	vmov v7  }
0x171: {  	v0 =	vor.u32 v12, v0;
	[tilespmem:$0x1FEC0] =	vst v8;
	v8 =	vld.idx.msk [tilespmem:v10+s5+$0x0], $0xffff  }
0x172: {  	v6 =	vld.idx.msk [tilespmem:v6+s5+$0x0], $0xffff;
	vm15 =	vgt.s32 v0, $0x0;
	v0 =	vor.u32 $0x34, v37  }
0x173: {  	v5 =	vld.idx.msk [tilespmem:v5+s5+$0x0], $0xffff;
	[tilespmem:$0x1FF50] =	vst v2;
	v2 =	vor.u32 $0x30, v37  }
0x174: {  	vm2 =	vgt.s32 v1, $0x0  }
0x175: {  	v22 =	vmovc v23;
	v23 =	vimm.s32 $0x0;
	v1 =	vor.u32 $0x35, v37;
	vm0 =	vmand vm0, vm2  }
0x176: {  	vm1 =	vge.u32 v48, v22;
	v7 =	vor.u32 $0x33, v37;
	[tilespmem:$0x1FF30] =	vst v8;
	v8 =	vsel vm0, $0x1, v23  }
0x177: {  	vm1 =	vmand vm1, vm15;
	v10 =	vmovc v6;
	v6 =	vor.u32 $0x32, v37;
	v25 =	vld.idx.msk [tilespmem:v0+s5+$0x0], $0xffff;
	(xrf0) =	vadd.scan.msk.s32 $0xffff, v8  }
0x178: {  	v0 =	vor.u32 $0x2E, v37;
	[tilespmem:$0x1FF40] =	vst v5;
	v5 =	vsel vm1, $0x1, v23;
	v29 =	vld.idx.msk [tilespmem:v2+s5+$0x0], $0xffff  }
0x179: {  	v8 =	vor.u32 $0x31, v37;
	(xrf0) =	vadd.scan.msk.s32 $0xffff, v5;
	v2 =	vld [tilespmem:$0x1FFE0]  }
0x17a: {  	v9 =	vmpcnt.ones.xlane vm1;
	[tilespmem:$0x1FF20] =	vst v3;
	v3 =	vmpcnt.ones.xlane vm0;
	v24 =	vld.idx.msk [tilespmem:v1+s5+$0x0], $0xffff;
	v1 =	vor.u32 $0x2F, v37  }
0x17b: {  	v26 =	vld.idx.msk [tilespmem:v7+s5+$0x0], $0xffff;
	v5 =	vor.u32 $0x2D, v37  }
0x17c: {  	v27 =	vld.idx.msk [tilespmem:v6+s5+$0x0], $0xffff;
	v6 =	vor.u32 $0x2C, v37;
	v3 =	vadd.s32 v4, v3  }
0x17d: {  	v31 =	vld.idx.msk [tilespmem:v0+s5+$0x0], $0xffff;
	v4 =	vadd.s32 v3, v9;
	v7, _, _ =	vpop (xrf0)  }
0x17e: {  	v9 =	vmov v4;
	v28 =	vld.idx.msk [tilespmem:v8+s5+$0x0], $0xffff;
	v8 =	vor.u32 $0x2B, v37;
	v2 =	vadd.s32 v7, v2  }
0x17f: {  	v30 =	vld.idx.msk [tilespmem:v1+s5+$0x0], $0xffff;
	[tilespmem:$0x1FFE0] =	vst v9;
	v9 =	vor.u32 $0x2A, v37;
	v7, _, _ =	vpop (xrf0);
	v1 =	vadd.s32 $0xFFFFFFFF, v2  }
0x180: {  	v5 =	vld.idx.msk [tilespmem:v5+s5+$0x0], $0xffff;
	v2 =	vadd.s32 v7, v3;
	v3 =	vor.u32 $0x29, v37  }
0x181: {  	v6 =	vld.idx.msk [tilespmem:v6+s5+$0x0], $0xffff;
	v0 =	vadd.s32 $0xFFFFFFFF, v2;
	v2 =	vor.u32 $0x28, v37  }
0x182: {  	v45 =	vld.idx.msk [tilespmem:v37+s5+$0x0], $0xffff  }
0x183: {  	v7 =	vld.idx.msk [tilespmem:v8+s5+$0x0], $0xffff  }
0x184: {  	v8 =	vld.idx.msk [tilespmem:v9+s5+$0x0], $0xffff;
	[tilespmem:v1+s12+$0x0] =	vst.idx.msk vm0, v47;
	v1 =	vor.u32 $0x24, v37  }
0x185: {  	[tilespmem:$0x1FF60] =	vst v5;
	v5 =	vor.u32 $0x27, v37;
	v3 =	vld.idx.msk [tilespmem:v3+s5+$0x0], $0xffff  }
0x186: {  	[tilespmem:$0x1FF70] =	vst v6;
	v6 =	vor.u32 $0x26, v37;
	v2 =	vld.idx.msk [tilespmem:v2+s5+$0x0], $0xffff;
	_ =	sdelay $0x1  }
0x187: {  	[tilespmem:v0+s12+$0x0] =	vst.idx.msk vm1, v48;
	v0 =	vor.u32 $0x23, v37  }
0x188: {  	[tilespmem:$0x1FF80] =	vst v7;
	v34 =	vld.idx.msk [tilespmem:v1+s5+$0x0], $0xffff;
	v1 =	vor.u32 $0x1E, v37  }
0x189: {  	v7 =	vor.u32 $0x25, v37;
	[tilespmem:$0x1FFA0] =	vst v3;
	v3 =	vld.idx.msk [tilespmem:v5+s5+$0x0], $0xffff  }
0x18a: {  	[tilespmem:$0x1FFB0] =	vst v2;
	v2 =	vor.u32 $0x22, v37;
	v5 =	vld.idx.msk [tilespmem:v6+s5+$0x0], $0xffff  }
0x18b: {  	v6 =	vor.u32 $0x1F, v37  }
0x18c: {  	v35 =	vld.idx.msk [tilespmem:v0+s5+$0x0], $0xffff;
	v0 =	vor.u32 $0x1D, v37  }
0x18d: {  	v41 =	vld.idx.msk [tilespmem:v1+s5+$0x0], $0xffff;
	v1 =	vor.u32 $0x18, v37  }
0x18e: {  	v32 =	vld.idx.msk [tilespmem:v7+s5+$0x0], $0xffff;
	[tilespmem:$0x1FFC0] =	vst v3;
	v3 =	vor.u32 $0x21, v37  }
0x18f: {  	[tilespmem:$0x1FFD0] =	vst v5;
	v5 =	vor.u32 $0x20, v37;
	v36 =	vld.idx.msk [tilespmem:v2+s5+$0x0], $0xffff  }
0x190: {  	v2 =	vor.u32 $0x1C, v37;
	v40 =	vld.idx.msk [tilespmem:v6+s5+$0x0], $0xffff  }
0x191: {  	v6 =	vor.u32 $0x19, v37;
	v42 =	vld.idx.msk [tilespmem:v0+s5+$0x0], $0xffff  }
0x192: {  	v0 =	vor.u32 $0x17, v37;
	v50 =	vld.idx.msk [tilespmem:v1+s5+$0x0], $0xffff  }
0x193: {  	v1 =	vor.u32 $0x12, v37;
	v38 =	vld.idx.msk [tilespmem:v3+s5+$0x0], $0xffff  }
0x194: {  	v39 =	vld.idx.msk [tilespmem:v5+s5+$0x0], $0xffff;
	v5 =	vor.u32 $0x1A, v37  }
0x195: {  	v3 =	vor.u32 $0x1B, v37;
	v43 =	vld.idx.msk [tilespmem:v2+s5+$0x0], $0xffff  }
0x196: {  	v2 =	vor.u32 $0x16, v37;
	v49 =	vld.idx.msk [tilespmem:v6+s5+$0x0], $0xffff  }
0x197: {  	v6 =	vor.u32 $0x13, v37;
	v51 =	vld.idx.msk [tilespmem:v0+s5+$0x0], $0xffff  }
0x198: {  	v0 =	vor.u32 $0x11, v37;
	v56 =	vld.idx.msk [tilespmem:v1+s5+$0x0], $0xffff  }
0x199: {  	v46 =	vld.idx.msk [tilespmem:v5+s5+$0x0], $0xffff;
	v5 =	vor.u32 $0x14, v37  }
0x19a: {  	v1 =	vor.u32 $0xC, v37;
	v44 =	vld.idx.msk [tilespmem:v3+s5+$0x0], $0xffff  }
0x19b: {  	v7 =	vor.u32 $0x9, v37;
	v52 =	vld.idx.msk [tilespmem:v2+s5+$0x0], $0xffff  }
0x19c: {  	v3 =	vor.u32 $0x15, v37;
	v55 =	vld.idx.msk [tilespmem:v6+s5+$0x0], $0xffff  }
0x19d: {  	v2 =	vor.u32 $0x10, v37;
	v57 =	vld.idx.msk [tilespmem:v0+s5+$0x0], $0xffff  }
0x19e: {  	v54 =	vld.idx.msk [tilespmem:v5+s5+$0x0], $0xffff;
	v5 =	vor.u32 $0xE, v37  }
0x19f: {  	v6 =	vor.u32 $0xD, v37;
	v62 =	vld.idx.msk [tilespmem:v1+s5+$0x0], $0xffff  }
0x1a0: {  	v0 =	vor.u32 $0xB, v37;
	v1 =	vld.idx.msk [tilespmem:v7+s5+$0x0], $0xffff  }
0x1a1: {  	v53 =	vld.idx.msk [tilespmem:v3+s5+$0x0], $0xffff;
	v3 =	vor.u32 $0xF, v37  }
0x1a2: {  	v58 =	vld.idx.msk [tilespmem:v2+s5+$0x0], $0xffff;
	v2 =	vor.u32 $0xA, v37  }
0x1a3: {  	v60 =	vld.idx.msk [tilespmem:v5+s5+$0x0], $0xffff;
	v5 =	vor.u32 $0x8, v37  }
0x1a4: {  	v61 =	vld.idx.msk [tilespmem:v6+s5+$0x0], $0xffff;
	v6 =	vor.u32 $0x7, v37  }
0x1a5: {  	[tilespmem:$0x1FF90] =	vst v8;
	v8 =	vor.u32 $0x6, v37;
	v63 =	vld.idx.msk [tilespmem:v0+s5+$0x0], $0xffff  }
0x1a6: {  	v0 =	vor.u32 $0x5, v37;
	v59 =	vld.idx.msk [tilespmem:v3+s5+$0x0], $0xffff  }
0x1a7: {  	v3 =	vld.idx.msk [tilespmem:v2+s5+$0x0], $0xffff  }
0x1a8: {  	v2 =	vld.idx.msk [tilespmem:v5+s5+$0x0], $0xffff  }
0x1a9: {  	s31 =	sadd.s32 $0x10, s20;
	v5 =	vld.idx.msk [tilespmem:v6+s5+$0x0], $0xffff  }
0x1aa: {  	v7 =	vmov s31;
	v6 =	vld.idx.msk [tilespmem:v8+s5+$0x0], $0xffff  }
0x1ab: {  	v8 =	vshll.u32 v7, $0x7;
	v7 =	vld.idx.msk [tilespmem:v0+s5+$0x0], $0xffff  }
0x1ac: {  	v0 =	vld [tilespmem:$0x1FFF0]  }
0x1ad: {  	v12 =	vor.u32 $0x1, v37  }
0x1ae: {  	v9 =	vor.u32 $0x4, v37  }
0x1af: {  	[tilespmem:$0x1FED0] =	vst v10;
	v10 =	vor.u32 $0x3, v37  }
0x1b0: {  	v11 =	vor.u32 $0x2, v37  }
0x1b1: {  	v33 =	vor.u32 v0, v8  }
0x1b2: {  	s19 =	sadd.s32 $0x2, s19;
	v13 =	vld.idx.msk [tilespmem:v12+s5+$0x0], $0xffff;
	v14 =	vor.u32 $0x1, v33  }
0x1b3: {  	p2 =	slt.u32 s19, $0x26;
	v8 =	vld.idx.msk [tilespmem:v9+s5+$0x0], $0xffff;
	v15 =	vor.u32 $0x2, v33  }
.Ltmp5:
0x1b4: {  	v9 =	vld.idx.msk [tilespmem:v10+s5+$0x0], $0xffff;
	(pc) =	sbr.rel @p2 .LBB2_5-.Ltmp5, $4  }
0x1b5: {  	v10 =	vld.idx.msk [tilespmem:v11+s5+$0x0], $0xffff  }
0x1b6: {  	v0 =	vld.idx.msk [tilespmem:v33+s5+$0x0], $0xffff  }
0x1b7: {  	v47 =	vor.u32 $0x3, v33;
	v48 =	vor.u32 $0x4, v33;
	v12 =	vld.idx.msk [tilespmem:v14+s5+$0x0], $0xffff  }
0x1b8: {  	s18 =	smov.u32 s20;
	s20 =	sadd.s32 $0x20, s20;
	v37 =	vor.u32 $0x5, v33;
	v14 =	vor.u32 $0x6, v33;
	v11 =	vld.idx.msk [tilespmem:v15+s5+$0x0], $0xffff;
	v15 =	vor.u32 $0x7, v33  }
.Ltmp6:
0x1b9: {  	_ = 	snop;
	(pc) =	sbr.rel .LBB2_6-.Ltmp6, $1  }
0x1ba: {  	_ =	sdelay $0x3  }
.LBB2_8:
0x1bb: {  	[tilespmem:s14], [sflag:$0x1] =	stream.linear.gather [spmem:s4], $0x100, $0x38;
	[tilespmem:$0x19610] =	vst v63  }
0x1bc: {  	_ =	swait.ge [sflag:s11], $0x100  }
0x1bd: {  	[sflag:s11] =	ssyncset.done $0x0  }
0x1be: {  	[sflag:s11] =	ssyncadd.s32 $0xFFFFFF00  }
0x1bf: {  	[tilespmem:s15], [sflag:$0x1] =	stream.linear.gather [spmem:s3], $0x2800, $0x38;
	[tilespmem:$0x19610] =	vst v63  }
0x1c0: {  	_ =	swait.ge [sflag:s11], $0x2800  }
0x1c1: {  	[sflag:s11] =	ssyncset.done $0x0  }
0x1c2: {  	s18 =	simm.s32 $0x16C10;
	[sflag:s11] =	ssyncadd.s32 $0xFFFFD800  }
0x1c3: {  	s19 =	simm.s32 $0x0;
	[tilespmem:s18+$0xFFFFFFF0] =	vst v23  }
.LBB2_9:
0x1c4: {  	s19 =	sadd.s32 $0x2, s19  }
0x1c5: {  	p2 =	slt.u32 s19, $0x26E  }
.Ltmp7:
0x1c6: {  	_ = 	snop;
	(pc) =	sbr.rel @p2 .LBB2_9-.Ltmp7, $3  }
0x1c7: {  	_ =	sdelay $0x1  }
0x1c8: {  	[tilespmem:s18+$0x0] =	vst v23;
	s18 =	sadd.s32 $0x20, s18  }
0x1c9: {  	[tilespmem:s18+$0xFFFFFFF0] =	vst v23  }
0x1ca: {  	[tilespmem:s18+$0x0] =	vst v23  }
0x1cb: {  	v0 =	vld [tilespmem:$0x16B00];
	_ =	sdelay $0x2  }
0x1cc: {  	s19 =	simm.s32 $0x0  }
0x1cd: {  	v1 =	vor.u32 s19, v5  }
0x1ce: {  	s18 =	simm.s32 $0x14300;
	[tilespmem:$0x19300] =	vst v23;
	vm0 =	vlt.s32 v1, v0  }
0x1cf: {  	s19 =	simm.s32 $0x10;
	v2 =	vld [tilespmem:s18+$0x0]  }
.LBB2_11:
0x1d0: {  	p2 =	sne.s32 s19, $0x270  }
.Ltmp8:
0x1d1: {  	_ = 	snop;
	(pc) =	sbr.rel @p2 .LBB2_11-.Ltmp8, $4  }
0x1d2: {  	_ = 	snop  }
0x1d3: {  	v3 =	vor.u32 s19, v5;
	s19 =	sadd.s32 $0x10, s19  }
0x1d4: {  	s18 =	sadd.s32 $0x10, s18;
	[tilespmem:v1+s16+$0x0] =	vst.idx.msk vm0, v2;
	vm0 =	vlt.s32 v3, v0;
	v1 =	vmov v3  }
0x1d5: {  	v2 =	vld [tilespmem:s18+$0x0]  }
0x1d6: {  	_ =	sdelay $0x4  }
0x1d7: {  	[tilespmem:v1+s16+$0x0] =	vst.idx.msk vm0, v2  }
0x1d8: {  	v2 =	vld [tilespmem:$0x16B10];
	_ =	sdelay $0x2  }
0x1d9: {  	s18 =	simm.s32 $0x0  }
0x1da: {  	v3 =	vor.u32 s18, v5  }
0x1db: {  	s19 =	sand.u32 $0x3F0, s18;
	vm0 =	vlt.s32 v3, v2  }
0x1dc: {  	s18 =	simm.s32 $0x10;
	v1 =	vld [tilespmem:s19+$0x14580];
	v3 =	vadd.s32 v0, v3  }
.LBB2_13:
0x1dd: {  	p2 =	sne.s32 s18, $0x270  }
.Ltmp9:
0x1de: {  	_ = 	snop;
	(pc) =	sbr.rel @p2 .LBB2_13-.Ltmp9, $4  }
0x1df: {  	_ = 	snop  }
0x1e0: {  	v4 =	vor.u32 s18, v5;
	s19 =	smov.u32 s18;
	s18 =	sadd.s32 $0x10, s18  }
0x1e1: {  	s19 =	sand.u32 $0x3F0, s19;
	[tilespmem:v3+s16+$0x0] =	vst.idx.msk vm0, v1;
	vm0 =	vlt.s32 v4, v2  }
0x1e2: {  	v3 =	vadd.s32 v0, v4;
	v1 =	vld [tilespmem:s19+$0x14580]  }
0x1e3: {  	_ =	sdelay $0x4  }
0x1e4: {  	[tilespmem:v3+s16+$0x0] =	vst.idx.msk vm0, v1  }
0x1e5: {  	v1 =	vld [tilespmem:$0x16B20];
	_ =	sdelay $0x2  }
0x1e6: {  	s18 =	simm.s32 $0x0  }
0x1e7: {  	v3 =	vor.u32 s18, v5  }
0x1e8: {  	v2 =	vadd.s32 v0, v2;
	s19 =	sand.u32 $0x3F0, s18;
	vm0 =	vlt.s32 v3, v1  }
0x1e9: {  	s18 =	simm.s32 $0x10;
	v0 =	vld [tilespmem:s19+$0x14800];
	v3 =	vadd.s32 v2, v3  }
.LBB2_15:
0x1ea: {  	p2 =	sne.s32 s18, $0x270  }
.Ltmp10:
0x1eb: {  	_ = 	snop;
	(pc) =	sbr.rel @p2 .LBB2_15-.Ltmp10, $4  }
0x1ec: {  	_ = 	snop  }
0x1ed: {  	v4 =	vor.u32 s18, v5;
	s19 =	smov.u32 s18;
	s18 =	sadd.s32 $0x10, s18  }
0x1ee: {  	s19 =	sand.u32 $0x3F0, s19;
	[tilespmem:v3+s16+$0x0] =	vst.idx.msk vm0, v0;
	vm0 =	vlt.s32 v4, v1  }
0x1ef: {  	v3 =	vadd.s32 v2, v4;
	v0 =	vld [tilespmem:s19+$0x14800]  }
0x1f0: {  	_ =	sdelay $0x4  }
0x1f1: {  	[tilespmem:v3+s16+$0x0] =	vst.idx.msk vm0, v0  }
0x1f2: {  	v0 =	vld [tilespmem:$0x16B30];
	_ =	sdelay $0x2  }
0x1f3: {  	s18 =	simm.s32 $0x0  }
0x1f4: {  	v3 =	vor.u32 s18, v5  }
0x1f5: {  	v2 =	vadd.s32 v2, v1;
	s19 =	sand.u32 $0x3F0, s18;
	vm0 =	vlt.s32 v3, v0  }
0x1f6: {  	s18 =	simm.s32 $0x10;
	v1 =	vld [tilespmem:s19+$0x14A80];
	v3 =	vadd.s32 v2, v3  }
.LBB2_17:
0x1f7: {  	p2 =	sne.s32 s18, $0x270  }
.Ltmp11:
0x1f8: {  	_ = 	snop;
	(pc) =	sbr.rel @p2 .LBB2_17-.Ltmp11, $4  }
0x1f9: {  	_ = 	snop  }
0x1fa: {  	v4 =	vor.u32 s18, v5;
	s19 =	smov.u32 s18;
	s18 =	sadd.s32 $0x10, s18  }
0x1fb: {  	s19 =	sand.u32 $0x3F0, s19;
	[tilespmem:v3+s16+$0x0] =	vst.idx.msk vm0, v1;
	vm0 =	vlt.s32 v4, v0  }
0x1fc: {  	v3 =	vadd.s32 v2, v4;
	v1 =	vld [tilespmem:s19+$0x14A80]  }
0x1fd: {  	_ =	sdelay $0x4  }
0x1fe: {  	[tilespmem:v3+s16+$0x0] =	vst.idx.msk vm0, v1  }
0x1ff: {  	v1 =	vld [tilespmem:$0x16B40];
	_ =	sdelay $0x2  }
0x200: {  	s18 =	simm.s32 $0x0  }
0x201: {  	v3 =	vor.u32 s18, v5  }
0x202: {  	v2 =	vadd.s32 v2, v0;
	s19 =	sand.u32 $0x3F0, s18;
	vm0 =	vlt.s32 v3, v1  }
0x203: {  	s18 =	simm.s32 $0x10;
	v0 =	vld [tilespmem:s19+$0x14D00];
	v3 =	vadd.s32 v2, v3  }
.LBB2_19:
0x204: {  	p2 =	sne.s32 s18, $0x270  }
.Ltmp12:
0x205: {  	_ = 	snop;
	(pc) =	sbr.rel @p2 .LBB2_19-.Ltmp12, $4  }
0x206: {  	_ = 	snop  }
0x207: {  	v4 =	vor.u32 s18, v5;
	s19 =	smov.u32 s18;
	s18 =	sadd.s32 $0x10, s18  }
0x208: {  	s19 =	sand.u32 $0x3F0, s19;
	[tilespmem:v3+s16+$0x0] =	vst.idx.msk vm0, v0;
	vm0 =	vlt.s32 v4, v1  }
0x209: {  	v3 =	vadd.s32 v2, v4;
	v0 =	vld [tilespmem:s19+$0x14D00]  }
0x20a: {  	_ =	sdelay $0x4  }
0x20b: {  	[tilespmem:v3+s16+$0x0] =	vst.idx.msk vm0, v0  }
0x20c: {  	v0 =	vld [tilespmem:$0x16B50];
	_ =	sdelay $0x2  }
0x20d: {  	s18 =	simm.s32 $0x0  }
0x20e: {  	v3 =	vor.u32 s18, v5  }
0x20f: {  	v2 =	vadd.s32 v2, v1;
	s19 =	sand.u32 $0x3F0, s18;
	vm0 =	vlt.s32 v3, v0  }
0x210: {  	s18 =	simm.s32 $0x10;
	v1 =	vld [tilespmem:s19+$0x14F80];
	v3 =	vadd.s32 v2, v3  }
.LBB2_21:
0x211: {  	p2 =	sne.s32 s18, $0x270  }
.Ltmp13:
0x212: {  	_ = 	snop;
	(pc) =	sbr.rel @p2 .LBB2_21-.Ltmp13, $4  }
0x213: {  	_ = 	snop  }
0x214: {  	v4 =	vor.u32 s18, v5;
	s19 =	smov.u32 s18;
	s18 =	sadd.s32 $0x10, s18  }
0x215: {  	s19 =	sand.u32 $0x3F0, s19;
	[tilespmem:v3+s16+$0x0] =	vst.idx.msk vm0, v1;
	vm0 =	vlt.s32 v4, v0  }
0x216: {  	v3 =	vadd.s32 v2, v4;
	v1 =	vld [tilespmem:s19+$0x14F80]  }
0x217: {  	_ =	sdelay $0x4  }
0x218: {  	[tilespmem:v3+s16+$0x0] =	vst.idx.msk vm0, v1  }
0x219: {  	v1 =	vld [tilespmem:$0x16B60];
	_ =	sdelay $0x2  }
0x21a: {  	s18 =	simm.s32 $0x0  }
0x21b: {  	v3 =	vor.u32 s18, v5  }
0x21c: {  	v2 =	vadd.s32 v2, v0;
	s19 =	sand.u32 $0x3F0, s18;
	vm0 =	vlt.s32 v3, v1  }
0x21d: {  	s18 =	simm.s32 $0x10;
	v0 =	vld [tilespmem:s19+$0x15200];
	v3 =	vadd.s32 v2, v3  }
.LBB2_23:
0x21e: {  	p2 =	sne.s32 s18, $0x270  }
.Ltmp14:
0x21f: {  	_ = 	snop;
	(pc) =	sbr.rel @p2 .LBB2_23-.Ltmp14, $4  }
0x220: {  	_ = 	snop  }
0x221: {  	v4 =	vor.u32 s18, v5;
	s19 =	smov.u32 s18;
	s18 =	sadd.s32 $0x10, s18  }
0x222: {  	s19 =	sand.u32 $0x3F0, s19;
	[tilespmem:v3+s16+$0x0] =	vst.idx.msk vm0, v0;
	vm0 =	vlt.s32 v4, v1  }
0x223: {  	v3 =	vadd.s32 v2, v4;
	v0 =	vld [tilespmem:s19+$0x15200]  }
0x224: {  	_ =	sdelay $0x4  }
0x225: {  	[tilespmem:v3+s16+$0x0] =	vst.idx.msk vm0, v0  }
0x226: {  	v0 =	vld [tilespmem:$0x16B70];
	_ =	sdelay $0x2  }
0x227: {  	s18 =	simm.s32 $0x0  }
0x228: {  	v3 =	vor.u32 s18, v5  }
0x229: {  	v2 =	vadd.s32 v2, v1;
	s19 =	sand.u32 $0x3F0, s18;
	vm0 =	vlt.s32 v3, v0  }
0x22a: {  	s18 =	simm.s32 $0x10;
	v1 =	vld [tilespmem:s19+$0x15480];
	v3 =	vadd.s32 v2, v3  }
.LBB2_25:
0x22b: {  	p2 =	sne.s32 s18, $0x270  }
.Ltmp15:
0x22c: {  	_ = 	snop;
	(pc) =	sbr.rel @p2 .LBB2_25-.Ltmp15, $4  }
0x22d: {  	_ = 	snop  }
0x22e: {  	v4 =	vor.u32 s18, v5;
	s19 =	smov.u32 s18;
	s18 =	sadd.s32 $0x10, s18  }
0x22f: {  	s19 =	sand.u32 $0x3F0, s19;
	[tilespmem:v3+s16+$0x0] =	vst.idx.msk vm0, v1;
	vm0 =	vlt.s32 v4, v0  }
0x230: {  	v3 =	vadd.s32 v2, v4;
	v1 =	vld [tilespmem:s19+$0x15480]  }
0x231: {  	_ =	sdelay $0x4  }
0x232: {  	[tilespmem:v3+s16+$0x0] =	vst.idx.msk vm0, v1  }
0x233: {  	v1 =	vld [tilespmem:$0x16B80];
	_ =	sdelay $0x2  }
0x234: {  	s18 =	simm.s32 $0x0  }
0x235: {  	v3 =	vor.u32 s18, v5  }
0x236: {  	v2 =	vadd.s32 v2, v0;
	s19 =	sand.u32 $0x3F0, s18;
	vm0 =	vlt.s32 v3, v1  }
0x237: {  	s18 =	simm.s32 $0x10;
	v0 =	vld [tilespmem:s19+$0x15700];
	v3 =	vadd.s32 v2, v3  }
.LBB2_27:
0x238: {  	p2 =	sne.s32 s18, $0x270  }
.Ltmp16:
0x239: {  	_ = 	snop;
	(pc) =	sbr.rel @p2 .LBB2_27-.Ltmp16, $4  }
0x23a: {  	_ = 	snop  }
0x23b: {  	v4 =	vor.u32 s18, v5;
	s19 =	smov.u32 s18;
	s18 =	sadd.s32 $0x10, s18  }
0x23c: {  	s19 =	sand.u32 $0x3F0, s19;
	[tilespmem:v3+s16+$0x0] =	vst.idx.msk vm0, v0;
	vm0 =	vlt.s32 v4, v1  }
0x23d: {  	v3 =	vadd.s32 v2, v4;
	v0 =	vld [tilespmem:s19+$0x15700]  }
0x23e: {  	_ =	sdelay $0x4  }
0x23f: {  	[tilespmem:v3+s16+$0x0] =	vst.idx.msk vm0, v0  }
0x240: {  	v0 =	vld [tilespmem:$0x16B90];
	_ =	sdelay $0x2  }
0x241: {  	s18 =	simm.s32 $0x0  }
0x242: {  	v3 =	vor.u32 s18, v5  }
0x243: {  	v2 =	vadd.s32 v2, v1;
	s19 =	sand.u32 $0x3F0, s18;
	vm0 =	vlt.s32 v3, v0  }
0x244: {  	s18 =	simm.s32 $0x10;
	v1 =	vld [tilespmem:s19+$0x15980];
	v3 =	vadd.s32 v2, v3  }
.LBB2_29:
0x245: {  	p2 =	sne.s32 s18, $0x270  }
.Ltmp17:
0x246: {  	_ = 	snop;
	(pc) =	sbr.rel @p2 .LBB2_29-.Ltmp17, $4  }
0x247: {  	_ = 	snop  }
0x248: {  	v4 =	vor.u32 s18, v5;
	s19 =	smov.u32 s18;
	s18 =	sadd.s32 $0x10, s18  }
0x249: {  	s19 =	sand.u32 $0x3F0, s19;
	[tilespmem:v3+s16+$0x0] =	vst.idx.msk vm0, v1;
	vm0 =	vlt.s32 v4, v0  }
0x24a: {  	v3 =	vadd.s32 v2, v4;
	v1 =	vld [tilespmem:s19+$0x15980]  }
0x24b: {  	_ =	sdelay $0x4  }
0x24c: {  	[tilespmem:v3+s16+$0x0] =	vst.idx.msk vm0, v1  }
0x24d: {  	v1 =	vld [tilespmem:$0x16BA0];
	_ =	sdelay $0x2  }
0x24e: {  	s18 =	simm.s32 $0x0  }
0x24f: {  	v3 =	vor.u32 s18, v5  }
0x250: {  	v2 =	vadd.s32 v2, v0;
	s19 =	sand.u32 $0x3F0, s18;
	vm0 =	vlt.s32 v3, v1  }
0x251: {  	s18 =	simm.s32 $0x10;
	v0 =	vld [tilespmem:s19+$0x15C00];
	v3 =	vadd.s32 v2, v3  }
.LBB2_31:
0x252: {  	p2 =	sne.s32 s18, $0x270  }
.Ltmp18:
0x253: {  	_ = 	snop;
	(pc) =	sbr.rel @p2 .LBB2_31-.Ltmp18, $4  }
0x254: {  	_ = 	snop  }
0x255: {  	v4 =	vor.u32 s18, v5;
	s19 =	smov.u32 s18;
	s18 =	sadd.s32 $0x10, s18  }
0x256: {  	s19 =	sand.u32 $0x3F0, s19;
	[tilespmem:v3+s16+$0x0] =	vst.idx.msk vm0, v0;
	vm0 =	vlt.s32 v4, v1  }
0x257: {  	v3 =	vadd.s32 v2, v4;
	v0 =	vld [tilespmem:s19+$0x15C00]  }
0x258: {  	_ =	sdelay $0x4  }
0x259: {  	[tilespmem:v3+s16+$0x0] =	vst.idx.msk vm0, v0  }
0x25a: {  	v0 =	vld [tilespmem:$0x16BB0];
	_ =	sdelay $0x2  }
0x25b: {  	s18 =	simm.s32 $0x0  }
0x25c: {  	v3 =	vor.u32 s18, v5  }
0x25d: {  	v2 =	vadd.s32 v2, v1;
	s19 =	sand.u32 $0x3F0, s18;
	vm0 =	vlt.s32 v3, v0  }
0x25e: {  	s18 =	simm.s32 $0x10;
	v1 =	vld [tilespmem:s19+$0x15E80];
	v3 =	vadd.s32 v2, v3  }
.LBB2_33:
0x25f: {  	p2 =	sne.s32 s18, $0x270  }
.Ltmp19:
0x260: {  	_ = 	snop;
	(pc) =	sbr.rel @p2 .LBB2_33-.Ltmp19, $4  }
0x261: {  	_ = 	snop  }
0x262: {  	v4 =	vor.u32 s18, v5;
	s19 =	smov.u32 s18;
	s18 =	sadd.s32 $0x10, s18  }
0x263: {  	s19 =	sand.u32 $0x3F0, s19;
	[tilespmem:v3+s16+$0x0] =	vst.idx.msk vm0, v1;
	vm0 =	vlt.s32 v4, v0  }
0x264: {  	v3 =	vadd.s32 v2, v4;
	v1 =	vld [tilespmem:s19+$0x15E80]  }
0x265: {  	_ =	sdelay $0x4  }
0x266: {  	[tilespmem:v3+s16+$0x0] =	vst.idx.msk vm0, v1  }
0x267: {  	v1 =	vld [tilespmem:$0x16BC0];
	_ =	sdelay $0x2  }
0x268: {  	s18 =	simm.s32 $0x0  }
0x269: {  	v3 =	vor.u32 s18, v5  }
0x26a: {  	v2 =	vadd.s32 v2, v0;
	s19 =	sand.u32 $0x3F0, s18;
	vm0 =	vlt.s32 v3, v1  }
0x26b: {  	s18 =	simm.s32 $0x10;
	v0 =	vld [tilespmem:s19+$0x16100];
	v3 =	vadd.s32 v2, v3  }
.LBB2_35:
0x26c: {  	p2 =	sne.s32 s18, $0x270  }
.Ltmp20:
0x26d: {  	_ = 	snop;
	(pc) =	sbr.rel @p2 .LBB2_35-.Ltmp20, $4  }
0x26e: {  	_ = 	snop  }
0x26f: {  	v4 =	vor.u32 s18, v5;
	s19 =	smov.u32 s18;
	s18 =	sadd.s32 $0x10, s18  }
0x270: {  	s19 =	sand.u32 $0x3F0, s19;
	[tilespmem:v3+s16+$0x0] =	vst.idx.msk vm0, v0;
	vm0 =	vlt.s32 v4, v1  }
0x271: {  	v3 =	vadd.s32 v2, v4;
	v0 =	vld [tilespmem:s19+$0x16100]  }
0x272: {  	_ =	sdelay $0x4  }
0x273: {  	[tilespmem:v3+s16+$0x0] =	vst.idx.msk vm0, v0  }
0x274: {  	v0 =	vld [tilespmem:$0x16BD0];
	_ =	sdelay $0x2  }
0x275: {  	s18 =	simm.s32 $0x0  }
0x276: {  	v3 =	vor.u32 s18, v5  }
0x277: {  	v2 =	vadd.s32 v2, v1;
	s19 =	sand.u32 $0x3F0, s18;
	vm0 =	vlt.s32 v3, v0  }
0x278: {  	s18 =	simm.s32 $0x10;
	v1 =	vld [tilespmem:s19+$0x16380];
	v3 =	vadd.s32 v2, v3  }
.LBB2_37:
0x279: {  	p2 =	sne.s32 s18, $0x270  }
.Ltmp21:
0x27a: {  	_ = 	snop;
	(pc) =	sbr.rel @p2 .LBB2_37-.Ltmp21, $4  }
0x27b: {  	_ = 	snop  }
0x27c: {  	v4 =	vor.u32 s18, v5;
	s19 =	smov.u32 s18;
	s18 =	sadd.s32 $0x10, s18  }
0x27d: {  	s19 =	sand.u32 $0x3F0, s19;
	[tilespmem:v3+s16+$0x0] =	vst.idx.msk vm0, v1;
	vm0 =	vlt.s32 v4, v0  }
0x27e: {  	v3 =	vadd.s32 v2, v4;
	v1 =	vld [tilespmem:s19+$0x16380]  }
0x27f: {  	_ =	sdelay $0x4  }
0x280: {  	[tilespmem:v3+s16+$0x0] =	vst.idx.msk vm0, v1  }
0x281: {  	v1 =	vld [tilespmem:$0x16BE0];
	_ =	sdelay $0x2  }
0x282: {  	s18 =	simm.s32 $0x0  }
0x283: {  	v3 =	vor.u32 s18, v5  }
0x284: {  	v0 =	vadd.s32 v2, v0;
	s19 =	sand.u32 $0x3F0, s18;
	vm0 =	vlt.s32 v3, v1  }
0x285: {  	s18 =	simm.s32 $0x10;
	v2 =	vld [tilespmem:s19+$0x16600];
	v3 =	vadd.s32 v0, v3  }
.LBB2_39:
0x286: {  	p2 =	sne.s32 s18, $0x270  }
.Ltmp22:
0x287: {  	_ = 	snop;
	(pc) =	sbr.rel @p2 .LBB2_39-.Ltmp22, $4  }
0x288: {  	_ = 	snop  }
0x289: {  	v4 =	vor.u32 s18, v5;
	s19 =	smov.u32 s18;
	s18 =	sadd.s32 $0x10, s18  }
0x28a: {  	s19 =	sand.u32 $0x3F0, s19;
	[tilespmem:v3+s16+$0x0] =	vst.idx.msk vm0, v2;
	vm0 =	vlt.s32 v4, v1  }
0x28b: {  	v3 =	vadd.s32 v0, v4;
	v2 =	vld [tilespmem:s19+$0x16600]  }
0x28c: {  	_ =	sdelay $0x4  }
0x28d: {  	[tilespmem:v3+s16+$0x0] =	vst.idx.msk vm0, v2  }
0x28e: {  	v2 =	vld [tilespmem:$0x16BF0];
	_ =	sdelay $0x2  }
0x28f: {  	s18 =	simm.s32 $0x0  }
0x290: {  	v3 =	vor.u32 s18, v5  }
0x291: {  	v0 =	vadd.s32 v0, v1;
	s19 =	sand.u32 $0x3F0, s18;
	vm0 =	vlt.s32 v3, v2  }
0x292: {  	s18 =	simm.s32 $0x10;
	v1 =	vld [tilespmem:s19+$0x16880];
	v3 =	vadd.s32 v3, v0  }
.LBB2_41:
0x293: {  	p2 =	sne.s32 s18, $0x270  }
.Ltmp23:
0x294: {  	_ = 	snop;
	(pc) =	sbr.rel @p2 .LBB2_41-.Ltmp23, $4  }
0x295: {  	_ = 	snop  }
0x296: {  	v4 =	vor.u32 s18, v5;
	s19 =	smov.u32 s18;
	s18 =	sadd.s32 $0x10, s18  }
0x297: {  	s19 =	sand.u32 $0x3F0, s19;
	[tilespmem:v3+s16+$0x0] =	vst.idx.msk vm0, v1;
	vm0 =	vlt.s32 v4, v2  }
0x298: {  	v3 =	vadd.s32 v4, v0;
	v1 =	vld [tilespmem:s19+$0x16880]  }
0x299: {  	_ =	sdelay $0x4  }
.Ltmp24:
0x29a: {  	[tilespmem:v3+s16+$0x0] =	vst.idx.msk vm0, v1;
	(pc) =	sbr.rel .LBB2_43-.Ltmp24, $4  }
0x29b: {  	[hbm4b:s2+s5] =	stream.linear.scatter [tilespmem:s16], [sflag:$0x1], $0x2780, $0x38;
	[tilespmem:$0x19610] =	vst v63  }
0x29c: {  	_ =	swait.ge [sflag:s11], $0x2780  }
0x29d: {  	[sflag:s11] =	ssyncset.done $0x0  }
0x29e: {  	[sflag:s11] =	ssyncadd.s32 $0xFFFFD880  }
.LBB2_44:
0x29f: {  	_ =	sfence.sel $0x180000  }
0x2a0: {  	[bflag:$0x0] =	sbarrier.arrive $0xFFFF  }
0x2a1: {  	p0 =	sne.s32 s0, $0x0;
	_ =	strace $0x90000047  }
0x2a2: {  	s0 =	sadd.s32 @!p0 $0x100000, s1;
	[bflag:$0x2] =	sbarrier.arrive $0xFFFF  }
0x2a3: {  	[sflag:s0] =	ssyncadd.tile.s32 @!p0 $0x1;
	_ =	shalt  }
.Lfunc_end2:
_tile_overlayer_lowered:
.L_overlay_start_2:
0x2a4: {  	(tag) =	ssettag $0x2  }
0x2a5: {  	s0 =	rddreg [dreg:$0x0];
	s2 =	stileid.u32  }
0x2a6: {  	s1 =	rddreg [dreg:$0x1];
	p0 =	sne.s32 s2, $0x0  }
0x2a7: {  	s3 =	rddreg [dreg:$0x2];
	[bflag:$0x3] =	sbarrier.arrive $0xFFFF;
	s2 =	simm.s32 @!p0 $0x1C01  }
0x2a8: {  	[timem:s3], [sflag:s2] =	dma.local @!p0 [hbm:s0], s1  }
0x2a9: {  	s0 =	simm.s32 @!p0 $0x1  }
0x2aa: {  	_ =	swait.ge @!p0 [sflag:s0], s1  }
0x2ab: {  	s1 =	ssub.s32 @!p0 $0x0, s1;
	[sflag:s0] =	ssyncset.done @!p0 $0x0  }
0x2ac: {  	[sflag:s0] =	ssyncadd.s32 @!p0 s1  }
0x2ad: {  	[bflag:$0x3] =	sbarrier.arrive $0xFFFF  }
0x2ae: {  	_ =	shalt  }

</sc_bundles>
